<compile_context>
chip_gen: v7x
topology: tpu7x:2x2x1
jax: 0.10.2.dev20260603
libtpu: 0.0.44.dev20260713+nightly
codegen_flags: <defaults>
</compile_context>

<pallas_src>
import functools

import jax
import jax.numpy as jnp
from jax import lax
from jax.experimental import pallas as pl
from jax.experimental.pallas import tpu as pltpu
from jax.experimental.pallas import tpu_sc as plsc

B, S, H = 4, 2048, 1024
V, P, T = 30522, 2048, 2
NT = B * S
EPS = 1e-12
LANES = 16
HV = H // LANES

_info = plsc.get_sparse_core_info()
NC, NS = _info.num_cores, _info.num_subcores
NW = NC * NS
K = 16

PHASES = 1
NTP = NT // PHASES


def _make_gather_sum(ntok):
    tpw = ntok // NW
    nchunk = tpw // K

    def _body(ids_hbm, pid_hbm, word_hbm, pos_hbm, out_hbm,
              ids_v, pid_v,
              wbuf0, cbuf0, obuf0, wbuf1, cbuf1, obuf1,
              wsem0, csem0, osem0, wsem1, csem1, osem1):
        wid = lax.axis_index("s") * NC + lax.axis_index("c")
        base = wid * tpw

        pltpu.sync_copy(ids_hbm.at[pl.ds(base, tpw)], ids_v)
        pltpu.sync_copy(pid_hbm.at[pl.ds(base, tpw)], pid_v)

        bufs = ((wbuf0, cbuf0, obuf0, wsem0, csem0, osem0),
                (wbuf1, cbuf1, obuf1, wsem1, csem1, osem1))

        def start_gather(c, b):
            wb, cb, _, ws, cs, _ = bufs[b]
            pltpu.async_copy(word_hbm.at[ids_v.at[pl.ds(c * K, K)]], wb, ws)
            pltpu.async_copy(pos_hbm.at[pid_v.at[pl.ds(c * K, K)]], cb, cs)

        def wait_gather(b):
            wb, cb, _, ws, cs, _ = bufs[b]
            pltpu.make_async_copy(word_hbm.at[pl.ds(0, K)], wb, ws).wait()
            pltpu.make_async_copy(pos_hbm.at[pl.ds(0, K)], cb, cs).wait()

        def start_scatter(c, b):
            _, _, ob, _, _, osm = bufs[b]
            pltpu.async_copy(ob, out_hbm.at[pl.ds(base + c * K, K)], osm)

        def wait_scatter(b):
            _, _, ob, _, _, osm = bufs[b]
            pltpu.make_async_copy(ob, out_hbm.at[pl.ds(0, K)], osm).wait()

        def compute_chunk(b):
            wb, cb, ob, _, _, _ = bufs[b]

            def body(g, _):
                sla = pl.ds(g * LANES, LANES)
                slb = pl.ds(g * LANES + H // 2, LANES)
                for t in range(K):
                    a = wb[t, sla] + cb[t, sla]
                    b2 = wb[t, slb] + cb[t, slb]
                    pk = plsc.pack(a, b2, format=plsc.PackFormat.INTERLEAVED)
                    ob[t, sla] = plsc.bitcast(pk, jnp.float32)
                return 0

            lax.fori_loop(0, HV // 2, body, 0)

        start_gather(0, 0)
        start_gather(1, 1)

        def outer(i, _):
            for b in range(2):
                c = 2 * i + b
                wait_gather(b)

                @pl.when(c >= 2)
                def _():
                    wait_scatter(b)

                compute_chunk(b)
                start_scatter(c, b)

                @pl.when(c + 2 < nchunk)
                def _():
                    start_gather(c + 2, b)
            return 0

        lax.fori_loop(0, nchunk // 2, outer, 0)
        wait_scatter(0)
        wait_scatter(1)

    return functools.partial(
        pl.kernel,
        mesh=plsc.VectorSubcoreMesh(core_axis_name="c", subcore_axis_name="s"),
        out_type=jax.ShapeDtypeStruct((ntok, H // 2), jnp.float32),
        compiler_params=pltpu.CompilerParams(needs_layout_passes=False),
        scratch_types=[
            pltpu.VMEM((tpw,), jnp.int32),
            pltpu.VMEM((tpw,), jnp.int32),
            pltpu.VMEM((K, H), jnp.float32),
            pltpu.VMEM((K, H), jnp.float32),
            pltpu.VMEM((K, H // 2), jnp.float32),
            pltpu.VMEM((K, H), jnp.float32),
            pltpu.VMEM((K, H), jnp.float32),
            pltpu.VMEM((K, H // 2), jnp.float32),
            pltpu.SemaphoreType.DMA,
            pltpu.SemaphoreType.DMA,
            pltpu.SemaphoreType.DMA,
            pltpu.SemaphoreType.DMA,
            pltpu.SemaphoreType.DMA,
            pltpu.SemaphoreType.DMA,
        ],
    )(_body)


_gather_sum = _make_gather_sum(NTP)

_LN_BLK = 1024


def _ln_body(u_ref, tt_ref, type_ref, g_ref, b_ref, o_ref):
    ttf = tt_ref[0, 0, :].astype(jnp.float32)[:, None]
    t0 = type_ref[0, :][None, :]
    t1 = type_ref[1, :][None, :]
    ub = lax.bitcast_convert_type(u_ref[...], jnp.uint32)
    xa = lax.bitcast_convert_type(ub << 16, jnp.float32)
    xb = lax.bitcast_convert_type(ub & jnp.uint32(0xFFFF0000), jnp.float32)
    x = jnp.concatenate([xa, xb], axis=-1) + t0 + ttf * (t1 - t0)
    mu = jnp.mean(x, axis=-1, keepdims=True)
    xc = x - mu
    var = jnp.mean(xc * xc, axis=-1, keepdims=True)
    o_ref[...] = xc * lax.rsqrt(var + EPS) * g_ref[...] + b_ref[...]


_ln = pl.pallas_call(
    _ln_body,
    grid=(NTP // _LN_BLK,),
    in_specs=[
        pl.BlockSpec((_LN_BLK, H // 2), lambda i: (i, 0)),
        pl.BlockSpec((1, 1, _LN_BLK), lambda i: (i, 0, 0)),
        pl.BlockSpec((T, H), lambda i: (0, 0)),
        pl.BlockSpec((1, H), lambda i: (0, 0)),
        pl.BlockSpec((1, H), lambda i: (0, 0)),
    ],
    out_specs=pl.BlockSpec((_LN_BLK, H), lambda i: (i, 0)),
    out_shape=jax.ShapeDtypeStruct((NTP, H), jnp.float32),
)


def kernel(input_ids, token_type_ids, position_ids, word_emb, pos_emb,
           type_emb, gamma, beta):
    ids = input_ids.reshape(NT).astype(jnp.int32)
    tt3 = token_type_ids.reshape(NT // _LN_BLK, 1, _LN_BLK).astype(jnp.int32)
    pid = position_ids.reshape(NT).astype(jnp.int32)
    g2 = gamma.reshape(1, H)
    b2 = beta.reshape(1, H)
    nb = NTP // _LN_BLK
    us = [
        _gather_sum(ids[i * NTP:(i + 1) * NTP], pid[i * NTP:(i + 1) * NTP],
                    word_emb, pos_emb)
        for i in range(PHASES)
    ]
    outs = [
        _ln(us[i], tt3[i * nb:(i + 1) * nb], type_emb, g2, b2)
        for i in range(PHASES)
    ]
    return jnp.concatenate(outs, axis=0).reshape(B, S, H)

# --- scband reference (transcript-rebuilt; emitter-appended) ---
"""Pipeline reference for scband-bert-embeddings-31636729102672 (READ-ONLY COPY).

The authoritative reference and input builder live on the scoring server;
editing this copy changes nothing except your own understanding.
"""

import jax, jax.numpy as jnp
import numpy as np

B, S, H = 4, 2048, 1024
V, P, T = 30522, 2048, 2
EPS = 1e-12

def setup_inputs(seed: int = 0) -> dict:
    key = jax.random.key(seed)
    ks = jax.random.split(key, 8)
    input_ids = jax.random.randint(ks[0], (B, S), 0, V)
    token_type_ids = jax.random.randint(ks[1], (B, S), 0, T)
    position_ids = jax.random.randint(ks[2], (B, S), 0, P)
    word_emb = jax.random.normal(ks[3], (V, H), dtype=jnp.float32) * 0.02
    # padding_idx=0 row is typically zero in torch nn.Embedding(padding_idx=0)
    word_emb = word_emb.at[0].set(0.0)
    pos_emb = jax.random.normal(ks[4], (P, H), dtype=jnp.float32) * 0.02
    type_emb = jax.random.normal(ks[5], (T, H), dtype=jnp.float32) * 0.02
    gamma = jnp.ones((H,), dtype=jnp.float32)
    beta = jnp.zeros((H,), dtype=jnp.float32)
    return {
        "input_ids": input_ids,
        "token_type_ids": token_type_ids,
        "position_ids": position_ids,
        "word_emb": word_emb,
        "pos_emb": pos_emb,
        "type_emb": type_emb,
        "gamma": gamma,
        "beta": beta,
    }

def reference(input_ids, token_type_ids, position_ids, word_emb, pos_emb, type_emb, gamma, beta):
    words_embeddings = jnp.take(word_emb, input_ids, axis=0)
    token_type_embeddings = jnp.take(type_emb, token_type_ids, axis=0)
    position_embeddings = jnp.take(pos_emb, position_ids, axis=0)
    embeddings = words_embeddings + position_embeddings + token_type_embeddings
    mu = jnp.mean(embeddings, axis=-1, keepdims=True)
    var = jnp.mean(jnp.square(embeddings - mu), axis=-1, keepdims=True)
    normed = (embeddings - mu) / jnp.sqrt(var + EPS)
    out = normed * gamma + beta
    # dropout is identity in eval mode (deterministic reference)
    return out

if __name__ == "__main__":
    import jax
    _d = setup_inputs()
    print(jax.jit(kernel)(*tuple(_d.values())))

</pallas_src>

<mosaic_0001>
#map = affine_map<(d0, d1) -> (0)>
#map1 = affine_map<(d0, d1) -> (0, 0)>
module attributes {stable_mosaic.version = 14 : i64} {
  func.func @_body(%arg0: i32, %arg1: i32, %arg2: memref<8192xi32, #tpu.memory_space<hbm>>, %arg3: memref<8192xi32, #tpu.memory_space<hbm>>, %arg4: memref<30522x1024xf32, #tpu.memory_space<hbm>>, %arg5: memref<2048x1024xf32, #tpu.memory_space<hbm>>, %arg6: memref<8192x512xf32, #tpu.memory_space<hbm>>, %arg7: memref<256xi32, #tpu.memory_space<vmem>>, %arg8: memref<256xi32, #tpu.memory_space<vmem>>, %arg9: memref<16x1024xf32, #tpu.memory_space<vmem>>, %arg10: memref<16x1024xf32, #tpu.memory_space<vmem>>, %arg11: memref<16x512xf32, #tpu.memory_space<vmem>>, %arg12: memref<16x1024xf32, #tpu.memory_space<vmem>>, %arg13: memref<16x1024xf32, #tpu.memory_space<vmem>>, %arg14: memref<16x512xf32, #tpu.memory_space<vmem>>, %arg15: memref<!tpu.dma_semaphore, #tpu.memory_space<semaphore_mem>>, %arg16: memref<!tpu.dma_semaphore, #tpu.memory_space<semaphore_mem>>, %arg17: memref<!tpu.dma_semaphore, #tpu.memory_space<semaphore_mem>>, %arg18: memref<!tpu.dma_semaphore, #tpu.memory_space<semaphore_mem>>, %arg19: memref<!tpu.dma_semaphore, #tpu.memory_space<semaphore_mem>>, %arg20: memref<!tpu.dma_semaphore, #tpu.memory_space<semaphore_mem>>) attributes {dimension_semantics = [#tpu.dimension_semantics<core_parallel>, #tpu.dimension_semantics<subcore_parallel>], iteration_bounds = array<i64: 2, 16>, scalar_prefetch = 0 : i64, scratch_operands = 14 : i64, tpu.core_type = #tpu.core_type<sc_vector_subcore>, window_params = [{transform_indices = #map}, {transform_indices = #map}, {transform_indices = #map1}, {transform_indices = #map1}, {transform_indices = #map1}]} {
    %mul3A = arith.constant 2 : i32
    %mul3A_0 = arith.muli %arg1, %mul3A : i32
    %add3A = arith.addi %mul3A_0, %arg0 : i32
    %mul3A_1 = arith.constant 256 : i32
    %mul3A_2 = arith.muli %add3A, %mul3A_1 : i32
    "tpu.region"() ({
      %run_scoped3A = tpu.sem_alloc : memref<!tpu.dma_semaphore, #tpu.memory_space<semaphore_mem>>
      %dma_start3A_39 = tpu.memref_slice %arg2[%mul3A_2] : memref<8192xi32, #tpu.memory_space<hbm>> -> memref<256xi32, #tpu.memory_space<hbm>>
      %dma_start3A_40 = tpu.memref_slice %arg2[%mul3A_2] : memref<8192xi32, #tpu.memory_space<hbm>> -> memref<256xi32, #tpu.memory_space<hbm>>
      tpu.enqueue_dma source(%dma_start3A_40 : memref<256xi32, #tpu.memory_space<hbm>>) target(%arg7 : memref<256xi32, #tpu.memory_space<vmem>>) target_semaphore(%run_scoped3A : memref<!tpu.dma_semaphore, #tpu.memory_space<semaphore_mem>>)
      %dma_wait3A_41 = tpu.memref_slice %arg2[%mul3A_2] : memref<8192xi32, #tpu.memory_space<hbm>> -> memref<256xi32, #tpu.memory_space<hbm>>
      %dma_wait3A_42 = tpu.memref_slice %arg2[%mul3A_2] : memref<8192xi32, #tpu.memory_space<hbm>> -> memref<256xi32, #tpu.memory_space<hbm>>
      tpu.wait_dma2 semaphore(%run_scoped3A : memref<!tpu.dma_semaphore, #tpu.memory_space<semaphore_mem>>) src(%dma_wait3A_42 : memref<256xi32, #tpu.memory_space<hbm>>) dst(%arg7 : memref<256xi32, #tpu.memory_space<vmem>>)
      tpu.yield
    }) : () -> ()
    "tpu.region"() ({
      %run_scoped3A = tpu.sem_alloc : memref<!tpu.dma_semaphore, #tpu.memory_space<semaphore_mem>>
      %dma_start3A_39 = tpu.memref_slice %arg3[%mul3A_2] : memref<8192xi32, #tpu.memory_space<hbm>> -> memref<256xi32, #tpu.memory_space<hbm>>
      %dma_start3A_40 = tpu.memref_slice %arg3[%mul3A_2] : memref<8192xi32, #tpu.memory_space<hbm>> -> memref<256xi32, #tpu.memory_space<hbm>>
      tpu.enqueue_dma source(%dma_start3A_40 : memref<256xi32, #tpu.memory_space<hbm>>) target(%arg8 : memref<256xi32, #tpu.memory_space<vmem>>) target_semaphore(%run_scoped3A : memref<!tpu.dma_semaphore, #tpu.memory_space<semaphore_mem>>)
      %dma_wait3A_41 = tpu.memref_slice %arg3[%mul3A_2] : memref<8192xi32, #tpu.memory_space<hbm>> -> memref<256xi32, #tpu.memory_space<hbm>>
      %dma_wait3A_42 = tpu.memref_slice %arg3[%mul3A_2] : memref<8192xi32, #tpu.memory_space<hbm>> -> memref<256xi32, #tpu.memory_space<hbm>>
      tpu.wait_dma2 semaphore(%run_scoped3A : memref<!tpu.dma_semaphore, #tpu.memory_space<semaphore_mem>>) src(%dma_wait3A_42 : memref<256xi32, #tpu.memory_space<hbm>>) dst(%arg8 : memref<256xi32, #tpu.memory_space<vmem>>)
      tpu.yield
    }) : () -> ()
    %dma_start3A = arith.constant 0 : i32
    %dma_start3A_3 = tpu.memref_slice %arg7[%dma_start3A] : memref<256xi32, #tpu.memory_space<vmem>> -> memref<16xi32, #tpu.memory_space<vmem>>
    %dma_start3A_4 = arith.constant 0 : i32
    %dma_start3A_5 = arith.constant 0 : i32
    %dma_start3A_6 = tpu.memref_slice %arg4[%dma_start3A_4, %dma_start3A_5] : memref<30522x1024xf32, #tpu.memory_space<hbm>> -> memref<30522x1024xf32, #tpu.memory_space<hbm>>
    tpu.enqueue_indirect_dma source(%dma_start3A_6 : memref<30522x1024xf32, #tpu.memory_space<hbm>>) target(%arg9 : memref<16x1024xf32, #tpu.memory_space<vmem>>) offsets(%dma_start3A_3 : memref<16xi32, #tpu.memory_space<vmem>>) semaphore(%arg15 : memref<!tpu.dma_semaphore, #tpu.memory_space<semaphore_mem>>)
    %dma_start3A_7 = arith.constant 0 : i32
    %dma_start3A_8 = tpu.memref_slice %arg8[%dma_start3A_7] : memref<256xi32, #tpu.memory_space<vmem>> -> memref<16xi32, #tpu.memory_space<vmem>>
    %dma_start3A_9 = arith.constant 0 : i32
    %dma_start3A_10 = arith.constant 0 : i32
    %dma_start3A_11 = tpu.memref_slice %arg5[%dma_start3A_9, %dma_start3A_10] : memref<2048x1024xf32, #tpu.memory_space<hbm>> -> memref<2048x1024xf32, #tpu.memory_space<hbm>>
    tpu.enqueue_indirect_dma source(%dma_start3A_11 : memref<2048x1024xf32, #tpu.memory_space<hbm>>) target(%arg10 : memref<16x1024xf32, #tpu.memory_space<vmem>>) offsets(%dma_start3A_8 : memref<16xi32, #tpu.memory_space<vmem>>) semaphore(%arg16 : memref<!tpu.dma_semaphore, #tpu.memory_space<semaphore_mem>>)
    %dma_start3A_12 = arith.constant 16 : i32
    %dma_start3A_13 = tpu.memref_slice %arg7[%dma_start3A_12] : memref<256xi32, #tpu.memory_space<vmem>> -> memref<16xi32, #tpu.memory_space<vmem>>
    %dma_start3A_14 = arith.constant 0 : i32
    %dma_start3A_15 = arith.constant 0 : i32
    %dma_start3A_16 = tpu.memref_slice %arg4[%dma_start3A_14, %dma_start3A_15] : memref<30522x1024xf32, #tpu.memory_space<hbm>> -> memref<30522x1024xf32, #tpu.memory_space<hbm>>
    tpu.enqueue_indirect_dma source(%dma_start3A_16 : memref<30522x1024xf32, #tpu.memory_space<hbm>>) target(%arg12 : memref<16x1024xf32, #tpu.memory_space<vmem>>) offsets(%dma_start3A_13 : memref<16xi32, #tpu.memory_space<vmem>>) semaphore(%arg18 : memref<!tpu.dma_semaphore, #tpu.memory_space<semaphore_mem>>)
    %dma_start3A_17 = arith.constant 16 : i32
    %dma_start3A_18 = tpu.memref_slice %arg8[%dma_start3A_17] : memref<256xi32, #tpu.memory_space<vmem>> -> memref<16xi32, #tpu.memory_space<vmem>>
    %dma_start3A_19 = arith.constant 0 : i32
    %dma_start3A_20 = arith.constant 0 : i32
    %dma_start3A_21 = tpu.memref_slice %arg5[%dma_start3A_19, %dma_start3A_20] : memref<2048x1024xf32, #tpu.memory_space<hbm>> -> memref<2048x1024xf32, #tpu.memory_space<hbm>>
    tpu.enqueue_indirect_dma source(%dma_start3A_21 : memref<2048x1024xf32, #tpu.memory_space<hbm>>) target(%arg13 : memref<16x1024xf32, #tpu.memory_space<vmem>>) offsets(%dma_start3A_18 : memref<16xi32, #tpu.memory_space<vmem>>) semaphore(%arg19 : memref<!tpu.dma_semaphore, #tpu.memory_space<semaphore_mem>>)
    %scan3A = arith.constant 0 : i32
    %scan3A_22 = arith.constant 0 : i32
    %scan3A_23 = arith.constant 8 : i32
    %scan3A_24 = arith.addi %scan3A_22, %scan3A_23 : i32
    %scan3A_25 = arith.constant 1 : i32
    %scan3A_26 = scf.for %scan3A_39 = %scan3A_22 to %scan3A_24 step %scan3A_25 iter_args(%scan3A_40 = %scan3A) -> (i32)  : i32 {
      %mul3A_41 = arith.constant 2 : i32
      %mul3A_42 = arith.muli %mul3A_41, %scan3A_39 : i32
      %add3A_43 = arith.constant 0 : i32
      %add3A_44 = arith.addi %mul3A_42, %add3A_43 : i32
      %dma_wait3A_45 = arith.constant 0 : i32
      %dma_wait3A_46 = arith.constant 0 : i32
      %dma_wait3A_47 = tpu.memref_slice %arg4[%dma_wait3A_45, %dma_wait3A_46] : memref<30522x1024xf32, #tpu.memory_space<hbm>> -> memref<16x1024xf32, #tpu.memory_space<hbm>>
      %dma_wait3A_48 = arith.constant 0 : i32
      %dma_wait3A_49 = arith.constant 0 : i32
      %dma_wait3A_50 = tpu.memref_slice %arg4[%dma_wait3A_48, %dma_wait3A_49] : memref<30522x1024xf32, #tpu.memory_space<hbm>> -> memref<16x1024xf32, #tpu.memory_space<hbm>>
      tpu.wait_dma2 semaphore(%arg15 : memref<!tpu.dma_semaphore, #tpu.memory_space<semaphore_mem>>) src(%dma_wait3A_50 : memref<16x1024xf32, #tpu.memory_space<hbm>>) dst(%arg9 : memref<16x1024xf32, #tpu.memory_space<vmem>>)
      %dma_wait3A_51 = arith.constant 0 : i32
      %dma_wait3A_52 = arith.constant 0 : i32
      %dma_wait3A_53 = tpu.memref_slice %arg5[%dma_wait3A_51, %dma_wait3A_52] : memref<2048x1024xf32, #tpu.memory_space<hbm>> -> memref<16x1024xf32, #tpu.memory_space<hbm>>
      %dma_wait3A_54 = arith.constant 0 : i32
      %dma_wait3A_55 = arith.constant 0 : i32
      %dma_wait3A_56 = tpu.memref_slice %arg5[%dma_wait3A_54, %dma_wait3A_55] : memref<2048x1024xf32, #tpu.memory_space<hbm>> -> memref<16x1024xf32, #tpu.memory_space<hbm>>
      tpu.wait_dma2 semaphore(%arg16 : memref<!tpu.dma_semaphore, #tpu.memory_space<semaphore_mem>>) src(%dma_wait3A_56 : memref<16x1024xf32, #tpu.memory_space<hbm>>) dst(%arg10 : memref<16x1024xf32, #tpu.memory_space<vmem>>)
      %ge3A = arith.constant 2 : i32
      %ge3A_57 = arith.cmpi sge, %add3A_44, %ge3A : i32
      %convert_element_type3A = arith.extui %ge3A_57 : i1 to i32
      %cond3A = arith.constant 0 : i32
      %cond3A_58 = arith.cmpi ne, %convert_element_type3A, %cond3A : i32
      scf.if %cond3A_58 {
        %dma_wait3A_122 = arith.constant 0 : i32
        %dma_wait3A_123 = arith.constant 0 : i32
        %dma_wait3A_124 = tpu.memref_slice %arg6[%dma_wait3A_122, %dma_wait3A_123] : memref<8192x512xf32, #tpu.memory_space<hbm>> -> memref<16x512xf32, #tpu.memory_space<hbm>>
        %dma_wait3A_125 = arith.constant 0 : i32
        %dma_wait3A_126 = arith.constant 0 : i32
        %dma_wait3A_127 = tpu.memref_slice %arg6[%dma_wait3A_125, %dma_wait3A_126] : memref<8192x512xf32, #tpu.memory_space<hbm>> -> memref<16x512xf32, #tpu.memory_space<hbm>>
        tpu.wait_dma2 semaphore(%arg17 : memref<!tpu.dma_semaphore, #tpu.memory_space<semaphore_mem>>) src(%arg11 : memref<16x512xf32, #tpu.memory_space<vmem>>) dst(%dma_wait3A_127 : memref<16x512xf32, #tpu.memory_space<hbm>>)
      } else {
      }
      %scan3A_59 = arith.constant 0 : i32
      %scan3A_60 = arith.constant 0 : i32
      %scan3A_61 = arith.constant 32 : i32
      %scan3A_62 = arith.addi %scan3A_60, %scan3A_61 : i32
      %scan3A_63 = arith.constant 1 : i32
      %scan3A_64 = scf.for %scan3A_122 = %scan3A_60 to %scan3A_62 step %scan3A_63 iter_args(%scan3A_123 = %scan3A_59) -> (i32)  : i32 {
        %mul3A_124 = arith.constant 16 : i32
        %mul3A_125 = arith.muli %scan3A_122, %mul3A_124 : i32
        %mul3A_126 = arith.constant 16 : i32
        %mul3A_127 = arith.muli %scan3A_122, %mul3A_126 : i32
        %add3A_128 = arith.constant 512 : i32
        %add3A_129 = arith.addi %mul3A_127, %add3A_128 : i32
        %get3A = arith.constant 0 : i32
        %get3A_130 = arith.index_cast %get3A : i32 to index
        %get3A_131 = arith.index_cast %mul3A_125 : i32 to index
        %get3A_132 = tpu.vector_load %arg9[%get3A_130, %get3A_131] {strides = array<i32>} : memref<16x1024xf32, #tpu.memory_space<vmem>>, vector<16xf32>,
        %get3A_133 = arith.constant 0 : i32
        %get3A_134 = arith.index_cast %get3A_133 : i32 to index
        %get3A_135 = arith.index_cast %mul3A_125 : i32 to index
        %get3A_136 = tpu.vector_load %arg10[%get3A_134, %get3A_135] {strides = array<i32>} : memref<16x1024xf32, #tpu.memory_space<vmem>>, vector<16xf32>,
        %add3A_137 = arith.addf %get3A_132, %get3A_136 : vector<16xf32>
        %get3A_138 = arith.constant 0 : i32
        %get3A_139 = arith.index_cast %get3A_138 : i32 to index
        %get3A_140 = arith.index_cast %add3A_129 : i32 to index
        %get3A_141 = tpu.vector_load %arg9[%get3A_139, %get3A_140] {strides = array<i32>} : memref<16x1024xf32, #tpu.memory_space<vmem>>, vector<16xf32>,
        %get3A_142 = arith.constant 0 : i32
        %get3A_143 = arith.index_cast %get3A_142 : i32 to index
        %get3A_144 = arith.index_cast %add3A_129 : i32 to index
        %get3A_145 = tpu.vector_load %arg10[%get3A_143, %get3A_144] {strides = array<i32>} : memref<16x1024xf32, #tpu.memory_space<vmem>>, vector<16xf32>,
        %add3A_146 = arith.addf %get3A_141, %get3A_145 : vector<16xf32>
        %pack3A = tpu.pack_subelements %add3A_137, %add3A_146 {pack_format = #tpu.pack_format<interleaved>, positions = array<i32: 0, 1>} : vector<16xf32>, vector<16xf32> -> vector<32xbf16>
        %bitcast3A = vector.bitcast %pack3A : vector<32xbf16> to vector<16xf32>
        %swap3A = arith.constant 0 : i32
        %swap3A_147 = arith.index_cast %swap3A : i32 to index
        %swap3A_148 = arith.index_cast %mul3A_125 : i32 to index
        %swap3A_149 = tpu.vector_load %arg11[%swap3A_147, %swap3A_148] {strides = array<i32>} : memref<16x512xf32, #tpu.memory_space<vmem>>, vector<16xf32>,
        tpu.vector_store %arg11[%swap3A_147, %swap3A_148], %bitcast3A {strides = array<i32>} : memref<16x512xf32, #tpu.memory_space<vmem>>, vector<16xf32>,
        %get3A_150 = arith.constant 1 : i32
        %get3A_151 = arith.index_cast %get3A_150 : i32 to index
        %get3A_152 = arith.index_cast %mul3A_125 : i32 to index
        %get3A_153 = tpu.vector_load %arg9[%get3A_151, %get3A_152] {strides = array<i32>} : memref<16x1024xf32, #tpu.memory_space<vmem>>, vector<16xf32>,
        %get3A_154 = arith.constant 1 : i32
        %get3A_155 = arith.index_cast %get3A_154 : i32 to index
        %get3A_156 = arith.index_cast %mul3A_125 : i32 to index
        %get3A_157 = tpu.vector_load %arg10[%get3A_155, %get3A_156] {strides = array<i32>} : memref<16x1024xf32, #tpu.memory_space<vmem>>, vector<16xf32>,
        %add3A_158 = arith.addf %get3A_153, %get3A_157 : vector<16xf32>
        %get3A_159 = arith.constant 1 : i32
        %get3A_160 = arith.index_cast %get3A_159 : i32 to index
        %get3A_161 = arith.index_cast %add3A_129 : i32 to index
        %get3A_162 = tpu.vector_load %arg9[%get3A_160, %get3A_161] {strides = array<i32>} : memref<16x1024xf32, #tpu.memory_space<vmem>>, vector<16xf32>,
        %get3A_163 = arith.constant 1 : i32
        %get3A_164 = arith.index_cast %get3A_163 : i32 to index
        %get3A_165 = arith.index_cast %add3A_129 : i32 to index
        %get3A_166 = tpu.vector_load %arg10[%get3A_164, %get3A_165] {strides = array<i32>} : memref<16x1024xf32, #tpu.memory_space<vmem>>, vector<16xf32>,
        %add3A_167 = arith.addf %get3A_162, %get3A_166 : vector<16xf32>
        %pack3A_168 = tpu.pack_subelements %add3A_158, %add3A_167 {pack_format = #tpu.pack_format<interleaved>, positions = array<i32: 0, 1>} : vector<16xf32>, vector<16xf32> -> vector<32xbf16>
        %bitcast3A_169 = vector.bitcast %pack3A_168 : vector<32xbf16> to vector<16xf32>
        %swap3A_170 = arith.constant 1 : i32
        %swap3A_171 = arith.index_cast %swap3A_170 : i32 to index
        %swap3A_172 = arith.index_cast %mul3A_125 : i32 to index
        %swap3A_173 = tpu.vector_load %arg11[%swap3A_171, %swap3A_172] {strides = array<i32>} : memref<16x512xf32, #tpu.memory_space<vmem>>, vector<16xf32>,
        tpu.vector_store %arg11[%swap3A_171, %swap3A_172], %bitcast3A_169 {strides = array<i32>} : memref<16x512xf32, #tpu.memory_space<vmem>>, vector<16xf32>,
        %get3A_174 = arith.constant 2 : i32
        %get3A_175 = arith.index_cast %get3A_174 : i32 to index
        %get3A_176 = arith.index_cast %mul3A_125 : i32 to index
        %get3A_177 = tpu.vector_load %arg9[%get3A_175, %get3A_176] {strides = array<i32>} : memref<16x1024xf32, #tpu.memory_space<vmem>>, vector<16xf32>,
        %get3A_178 = arith.constant 2 : i32
        %get3A_179 = arith.index_cast %get3A_178 : i32 to index
        %get3A_180 = arith.index_cast %mul3A_125 : i32 to index
        %get3A_181 = tpu.vector_load %arg10[%get3A_179, %get3A_180] {strides = array<i32>} : memref<16x1024xf32, #tpu.memory_space<vmem>>, vector<16xf32>,
        %add3A_182 = arith.addf %get3A_177, %get3A_181 : vector<16xf32>
        %get3A_183 = arith.constant 2 : i32
        %get3A_184 = arith.index_cast %get3A_183 : i32 to index
        %get3A_185 = arith.index_cast %add3A_129 : i32 to index
        %get3A_186 = tpu.vector_load %arg9[%get3A_184, %get3A_185] {strides = array<i32>} : memref<16x1024xf32, #tpu.memory_space<vmem>>, vector<16xf32>,
        %get3A_187 = arith.constant 2 : i32
        %get3A_188 = arith.index_cast %get3A_187 : i32 to index
        %get3A_189 = arith.index_cast %add3A_129 : i32 to index
        %get3A_190 = tpu.vector_load %arg10[%get3A_188, %get3A_189] {strides = array<i32>} : memref<16x1024xf32, #tpu.memory_space<vmem>>, vector<16xf32>,
        %add3A_191 = arith.addf %get3A_186, %get3A_190 : vector<16xf32>
        %pack3A_192 = tpu.pack_subelements %add3A_182, %add3A_191 {pack_format = #tpu.pack_format<interleaved>, positions = array<i32: 0, 1>} : vector<16xf32>, vector<16xf32> -> vector<32xbf16>
        %bitcast3A_193 = vector.bitcast %pack3A_192 : vector<32xbf16> to vector<16xf32>
        %swap3A_194 = arith.constant 2 : i32
        %swap3A_195 = arith.index_cast %swap3A_194 : i32 to index
        %swap3A_196 = arith.index_cast %mul3A_125 : i32 to index
        %swap3A_197 = tpu.vector_load %arg11[%swap3A_195, %swap3A_196] {strides = array<i32>} : memref<16x512xf32, #tpu.memory_space<vmem>>, vector<16xf32>,
        tpu.vector_store %arg11[%swap3A_195, %swap3A_196], %bitcast3A_193 {strides = array<i32>} : memref<16x512xf32, #tpu.memory_space<vmem>>, vector<16xf32>,
        %get3A_198 = arith.constant 3 : i32
        %get3A_199 = arith.index_cast %get3A_198 : i32 to index
        %get3A_200 = arith.index_cast %mul3A_125 : i32 to index
        %get3A_201 = tpu.vector_load %arg9[%get3A_199, %get3A_200] {strides = array<i32>} : memref<16x1024xf32, #tpu.memory_space<vmem>>, vector<16xf32>,
        %get3A_202 = arith.constant 3 : i32
        %get3A_203 = arith.index_cast %get3A_202 : i32 to index
        %get3A_204 = arith.index_cast %mul3A_125 : i32 to index
        %get3A_205 = tpu.vector_load %arg10[%get3A_203, %get3A_204] {strides = array<i32>} : memref<16x1024xf32, #tpu.memory_space<vmem>>, vector<16xf32>,
        %add3A_206 = arith.addf %get3A_201, %get3A_205 : vector<16xf32>
        %get3A_207 = arith.constant 3 : i32
        %get3A_208 = arith.index_cast %get3A_207 : i32 to index
        %get3A_209 = arith.index_cast %add3A_129 : i32 to index
        %get3A_210 = tpu.vector_load %arg9[%get3A_208, %get3A_209] {strides = array<i32>} : memref<16x1024xf32, #tpu.memory_space<vmem>>, vector<16xf32>,
        %get3A_211 = arith.constant 3 : i32
        %get3A_212 = arith.index_cast %get3A_211 : i32 to index
        %get3A_213 = arith.index_cast %add3A_129 : i32 to index
        %get3A_214 = tpu.vector_load %arg10[%get3A_212, %get3A_213] {strides = array<i32>} : memref<16x1024xf32, #tpu.memory_space<vmem>>, vector<16xf32>,
        %add3A_215 = arith.addf %get3A_210, %get3A_214 : vector<16xf32>
        %pack3A_216 = tpu.pack_subelements %add3A_206, %add3A_215 {pack_format = #tpu.pack_format<interleaved>, positions = array<i32: 0, 1>} : vector<16xf32>, vector<16xf32> -> vector<32xbf16>
        %bitcast3A_217 = vector.bitcast %pack3A_216 : vector<32xbf16> to vector<16xf32>
        %swap3A_218 = arith.constant 3 : i32
        %swap3A_219 = arith.index_cast %swap3A_218 : i32 to index
        %swap3A_220 = arith.index_cast %mul3A_125 : i32 to index
        %swap3A_221 = tpu.vector_load %arg11[%swap3A_219, %swap3A_220] {strides = array<i32>} : memref<16x512xf32, #tpu.memory_space<vmem>>, vector<16xf32>,
        tpu.vector_store %arg11[%swap3A_219, %swap3A_220], %bitcast3A_217 {strides = array<i32>} : memref<16x512xf32, #tpu.memory_space<vmem>>, vector<16xf32>,
        %get3A_222 = arith.constant 4 : i32
        %get3A_223 = arith.index_cast %get3A_222 : i32 to index
        %get3A_224 = arith.index_cast %mul3A_125 : i32 to index
        %get3A_225 = tpu.vector_load %arg9[%get3A_223, %get3A_224] {strides = array<i32>} : memref<16x1024xf32, #tpu.memory_space<vmem>>, vector<16xf32>,
        %get3A_226 = arith.constant 4 : i32
        %get3A_227 = arith.index_cast %get3A_226 : i32 to index
        %get3A_228 = arith.index_cast %mul3A_125 : i32 to index
        %get3A_229 = tpu.vector_load %arg10[%get3A_227, %get3A_228] {strides = array<i32>} : memref<16x1024xf32, #tpu.memory_space<vmem>>, vector<16xf32>,
        %add3A_230 = arith.addf %get3A_225, %get3A_229 : vector<16xf32>
        %get3A_231 = arith.constant 4 : i32
        %get3A_232 = arith.index_cast %get3A_231 : i32 to index
        %get3A_233 = arith.index_cast %add3A_129 : i32 to index
        %get3A_234 = tpu.vector_load %arg9[%get3A_232, %get3A_233] {strides = array<i32>} : memref<16x1024xf32, #tpu.memory_space<vmem>>, vector<16xf32>,
        %get3A_235 = arith.constant 4 : i32
        %get3A_236 = arith.index_cast %get3A_235 : i32 to index
        %get3A_237 = arith.index_cast %add3A_129 : i32 to index
        %get3A_238 = tpu.vector_load %arg10[%get3A_236, %get3A_237] {strides = array<i32>} : memref<16x1024xf32, #tpu.memory_space<vmem>>, vector<16xf32>,
        %add3A_239 = arith.addf %get3A_234, %get3A_238 : vector<16xf32>
        %pack3A_240 = tpu.pack_subelements %add3A_230, %add3A_239 {pack_format = #tpu.pack_format<interleaved>, positions = array<i32: 0, 1>} : vector<16xf32>, vector<16xf32> -> vector<32xbf16>
        %bitcast3A_241 = vector.bitcast %pack3A_240 : vector<32xbf16> to vector<16xf32>
        %swap3A_242 = arith.constant 4 : i32
        %swap3A_243 = arith.index_cast %swap3A_242 : i32 to index
        %swap3A_244 = arith.index_cast %mul3A_125 : i32 to index
        %swap3A_245 = tpu.vector_load %arg11[%swap3A_243, %swap3A_244] {strides = array<i32>} : memref<16x512xf32, #tpu.memory_space<vmem>>, vector<16xf32>,
        tpu.vector_store %arg11[%swap3A_243, %swap3A_244], %bitcast3A_241 {strides = array<i32>} : memref<16x512xf32, #tpu.memory_space<vmem>>, vector<16xf32>,
        %get3A_246 = arith.constant 5 : i32
        %get3A_247 = arith.index_cast %get3A_246 : i32 to index
        %get3A_248 = arith.index_cast %mul3A_125 : i32 to index
        %get3A_249 = tpu.vector_load %arg9[%get3A_247, %get3A_248] {strides = array<i32>} : memref<16x1024xf32, #tpu.memory_space<vmem>>, vector<16xf32>,
        %get3A_250 = arith.constant 5 : i32
        %get3A_251 = arith.index_cast %get3A_250 : i32 to index
        %get3A_252 = arith.index_cast %mul3A_125 : i32 to index
        %get3A_253 = tpu.vector_load %arg10[%get3A_251, %get3A_252] {strides = array<i32>} : memref<16x1024xf32, #tpu.memory_space<vmem>>, vector<16xf32>,
        %add3A_254 = arith.addf %get3A_249, %get3A_253 : vector<16xf32>
        %get3A_255 = arith.constant 5 : i32
        %get3A_256 = arith.index_cast %get3A_255 : i32 to index
        %get3A_257 = arith.index_cast %add3A_129 : i32 to index
        %get3A_258 = tpu.vector_load %arg9[%get3A_256, %get3A_257] {strides = array<i32>} : memref<16x1024xf32, #tpu.memory_space<vmem>>, vector<16xf32>,
        %get3A_259 = arith.constant 5 : i32
        %get3A_260 = arith.index_cast %get3A_259 : i32 to index
        %get3A_261 = arith.index_cast %add3A_129 : i32 to index
        %get3A_262 = tpu.vector_load %arg10[%get3A_260, %get3A_261] {strides = array<i32>} : memref<16x1024xf32, #tpu.memory_space<vmem>>, vector<16xf32>,
        %add3A_263 = arith.addf %get3A_258, %get3A_262 : vector<16xf32>
        %pack3A_264 = tpu.pack_subelements %add3A_254, %add3A_263 {pack_format = #tpu.pack_format<interleaved>, positions = array<i32: 0, 1>} : vector<16xf32>, vector<16xf32> -> vector<32xbf16>
        %bitcast3A_265 = vector.bitcast %pack3A_264 : vector<32xbf16> to vector<16xf32>
        %swap3A_266 = arith.constant 5 : i32
        %swap3A_267 = arith.index_cast %swap3A_266 : i32 to index
        %swap3A_268 = arith.index_cast %mul3A_125 : i32 to index
        %swap3A_269 = tpu.vector_load %arg11[%swap3A_267, %swap3A_268] {strides = array<i32>} : memref<16x512xf32, #tpu.memory_space<vmem>>, vector<16xf32>,
        tpu.vector_store %arg11[%swap3A_267, %swap3A_268], %bitcast3A_265 {strides = array<i32>} : memref<16x512xf32, #tpu.memory_space<vmem>>, vector<16xf32>,
        %get3A_270 = arith.constant 6 : i32
        %get3A_271 = arith.index_cast %get3A_270 : i32 to index
        %get3A_272 = arith.index_cast %mul3A_125 : i32 to index
        %get3A_273 = tpu.vector_load %arg9[%get3A_271, %get3A_272] {strides = array<i32>} : memref<16x1024xf32, #tpu.memory_space<vmem>>, vector<16xf32>,
        %get3A_274 = arith.constant 6 : i32
        %get3A_275 = arith.index_cast %get3A_274 : i32 to index
        %get3A_276 = arith.index_cast %mul3A_125 : i32 to index
        %get3A_277 = tpu.vector_load %arg10[%get3A_275, %get3A_276] {strides = array<i32>} : memref<16x1024xf32, #tpu.memory_space<vmem>>, vector<16xf32>,
        %add3A_278 = arith.addf %get3A_273, %get3A_277 : vector<16xf32>
        %get3A_279 = arith.constant 6 : i32
        %get3A_280 = arith.index_cast %get3A_279 : i32 to index
        %get3A_281 = arith.index_cast %add3A_129 : i32 to index
        %get3A_282 = tpu.vector_load %arg9[%get3A_280, %get3A_281] {strides = array<i32>} : memref<16x1024xf32, #tpu.memory_space<vmem>>, vector<16xf32>,
        %get3A_283 = arith.constant 6 : i32
        %get3A_284 = arith.index_cast %get3A_283 : i32 to index
        %get3A_285 = arith.index_cast %add3A_129 : i32 to index
        %get3A_286 = tpu.vector_load %arg10[%get3A_284, %get3A_285] {strides = array<i32>} : memref<16x1024xf32, #tpu.memory_space<vmem>>, vector<16xf32>,
        %add3A_287 = arith.addf %get3A_282, %get3A_286 : vector<16xf32>
        %pack3A_288 = tpu.pack_subelements %add3A_278, %add3A_287 {pack_format = #tpu.pack_format<interleaved>, positions = array<i32: 0, 1>} : vector<16xf32>, vector<16xf32> -> vector<32xbf16>
        %bitcast3A_289 = vector.bitcast %pack3A_288 : vector<32xbf16> to vector<16xf32>
        %swap3A_290 = arith.constant 6 : i32
        %swap3A_291 = arith.index_cast %swap3A_290 : i32 to index
        %swap3A_292 = arith.index_cast %mul3A_125 : i32 to index
        %swap3A_293 = tpu.vector_load %arg11[%swap3A_291, %swap3A_292] {strides = array<i32>} : memref<16x512xf32, #tpu.memory_space<vmem>>, vector<16xf32>,
        tpu.vector_store %arg11[%swap3A_291, %swap3A_292], %bitcast3A_289 {strides = array<i32>} : memref<16x512xf32, #tpu.memory_space<vmem>>, vector<16xf32>,
        %get3A_294 = arith.constant 7 : i32
        %get3A_295 = arith.index_cast %get3A_294 : i32 to index
        %get3A_296 = arith.index_cast %mul3A_125 : i32 to index
        %get3A_297 = tpu.vector_load %arg9[%get3A_295, %get3A_296] {strides = array<i32>} : memref<16x1024xf32, #tpu.memory_space<vmem>>, vector<16xf32>,
        %get3A_298 = arith.constant 7 : i32
        %get3A_299 = arith.index_cast %get3A_298 : i32 to index
        %get3A_300 = arith.index_cast %mul3A_125 : i32 to index
        %get3A_301 = tpu.vector_load %arg10[%get3A_299, %get3A_300] {strides = array<i32>} : memref<16x1024xf32, #tpu.memory_space<vmem>>, vector<16xf32>,
        %add3A_302 = arith.addf %get3A_297, %get3A_301 : vector<16xf32>
        %get3A_303 = arith.constant 7 : i32
        %get3A_304 = arith.index_cast %get3A_303 : i32 to index
        %get3A_305 = arith.index_cast %add3A_129 : i32 to index
        %get3A_306 = tpu.vector_load %arg9[%get3A_304, %get3A_305] {strides = array<i32>} : memref<16x1024xf32, #tpu.memory_space<vmem>>, vector<16xf32>,
        %get3A_307 = arith.constant 7 : i32
        %get3A_308 = arith.index_cast %get3A_307 : i32 to index
        %get3A_309 = arith.index_cast %add3A_129 : i32 to index
        %get3A_310 = tpu.vector_load %arg10[%get3A_308, %get3A_309] {strides = array<i32>} : memref<16x1024xf32, #tpu.memory_space<vmem>>, vector<16xf32>,
        %add3A_311 = arith.addf %get3A_306, %get3A_310 : vector<16xf32>
        %pack3A_312 = tpu.pack_subelements %add3A_302, %add3A_311 {pack_format = #tpu.pack_format<interleaved>, positions = array<i32: 0, 1>} : vector<16xf32>, vector<16xf32> -> vector<32xbf16>
        %bitcast3A_313 = vector.bitcast %pack3A_312 : vector<32xbf16> to vector<16xf32>
        %swap3A_314 = arith.constant 7 : i32
        %swap3A_315 = arith.index_cast %swap3A_314 : i32 to index
        %swap3A_316 = arith.index_cast %mul3A_125 : i32 to index
        %swap3A_317 = tpu.vector_load %arg11[%swap3A_315, %swap3A_316] {strides = array<i32>} : memref<16x512xf32, #tpu.memory_space<vmem>>, vector<16xf32>,
        tpu.vector_store %arg11[%swap3A_315, %swap3A_316], %bitcast3A_313 {strides = array<i32>} : memref<16x512xf32, #tpu.memory_space<vmem>>, vector<16xf32>,
        %get3A_318 = arith.constant 8 : i32
        %get3A_319 = arith.index_cast %get3A_318 : i32 to index
        %get3A_320 = arith.index_cast %mul3A_125 : i32 to index
        %get3A_321 = tpu.vector_load %arg9[%get3A_319, %get3A_320] {strides = array<i32>} : memref<16x1024xf32, #tpu.memory_space<vmem>>, vector<16xf32>,
        %get3A_322 = arith.constant 8 : i32
        %get3A_323 = arith.index_cast %get3A_322 : i32 to index
        %get3A_324 = arith.index_cast %mul3A_125 : i32 to index
        %get3A_325 = tpu.vector_load %arg10[%get3A_323, %get3A_324] {strides = array<i32>} : memref<16x1024xf32, #tpu.memory_space<vmem>>, vector<16xf32>,
        %add3A_326 = arith.addf %get3A_321, %get3A_325 : vector<16xf32>
        %get3A_327 = arith.constant 8 : i32
        %get3A_328 = arith.index_cast %get3A_327 : i32 to index
        %get3A_329 = arith.index_cast %add3A_129 : i32 to index
        %get3A_330 = tpu.vector_load %arg9[%get3A_328, %get3A_329] {strides = array<i32>} : memref<16x1024xf32, #tpu.memory_space<vmem>>, vector<16xf32>,
        %get3A_331 = arith.constant 8 : i32
        %get3A_332 = arith.index_cast %get3A_331 : i32 to index
        %get3A_333 = arith.index_cast %add3A_129 : i32 to index
        %get3A_334 = tpu.vector_load %arg10[%get3A_332, %get3A_333] {strides = array<i32>} : memref<16x1024xf32, #tpu.memory_space<vmem>>, vector<16xf32>,
        %add3A_335 = arith.addf %get3A_330, %get3A_334 : vector<16xf32>
        %pack3A_336 = tpu.pack_subelements %add3A_326, %add3A_335 {pack_format = #tpu.pack_format<interleaved>, positions = array<i32: 0, 1>} : vector<16xf32>, vector<16xf32> -> vector<32xbf16>
        %bitcast3A_337 = vector.bitcast %pack3A_336 : vector<32xbf16> to vector<16xf32>
        %swap3A_338 = arith.constant 8 : i32
        %swap3A_339 = arith.index_cast %swap3A_338 : i32 to index
        %swap3A_340 = arith.index_cast %mul3A_125 : i32 to index
        %swap3A_341 = tpu.vector_load %arg11[%swap3A_339, %swap3A_340] {strides = array<i32>} : memref<16x512xf32, #tpu.memory_space<vmem>>, vector<16xf32>,
        tpu.vector_store %arg11[%swap3A_339, %swap3A_340], %bitcast3A_337 {strides = array<i32>} : memref<16x512xf32, #tpu.memory_space<vmem>>, vector<16xf32>,
        %get3A_342 = arith.constant 9 : i32
        %get3A_343 = arith.index_cast %get3A_342 : i32 to index
        %get3A_344 = arith.index_cast %mul3A_125 : i32 to index
        %get3A_345 = tpu.vector_load %arg9[%get3A_343, %get3A_344] {strides = array<i32>} : memref<16x1024xf32, #tpu.memory_space<vmem>>, vector<16xf32>,
        %get3A_346 = arith.constant 9 : i32
        %get3A_347 = arith.index_cast %get3A_346 : i32 to index
        %get3A_348 = arith.index_cast %mul3A_125 : i32 to index
        %get3A_349 = tpu.vector_load %arg10[%get3A_347, %get3A_348] {strides = array<i32>} : memref<16x1024xf32, #tpu.memory_space<vmem>>, vector<16xf32>,
        %add3A_350 = arith.addf %get3A_345, %get3A_349 : vector<16xf32>
        %get3A_351 = arith.constant 9 : i32
        %get3A_352 = arith.index_cast %get3A_351 : i32 to index
        %get3A_353 = arith.index_cast %add3A_129 : i32 to index
        %get3A_354 = tpu.vector_load %arg9[%get3A_352, %get3A_353] {strides = array<i32>} : memref<16x1024xf32, #tpu.memory_space<vmem>>, vector<16xf32>,
        %get3A_355 = arith.constant 9 : i32
        %get3A_356 = arith.index_cast %get3A_355 : i32 to index
        %get3A_357 = arith.index_cast %add3A_129 : i32 to index
        %get3A_358 = tpu.vector_load %arg10[%get3A_356, %get3A_357] {strides = array<i32>} : memref<16x1024xf32, #tpu.memory_space<vmem>>, vector<16xf32>,
        %add3A_359 = arith.addf %get3A_354, %get3A_358 : vector<16xf32>
        %pack3A_360 = tpu.pack_subelements %add3A_350, %add3A_359 {pack_format = #tpu.pack_format<interleaved>, positions = array<i32: 0, 1>} : vector<16xf32>, vector<16xf32> -> vector<32xbf16>
        %bitcast3A_361 = vector.bitcast %pack3A_360 : vector<32xbf16> to vector<16xf32>
        %swap3A_362 = arith.constant 9 : i32
        %swap3A_363 = arith.index_cast %swap3A_362 : i32 to index
        %swap3A_364 = arith.index_cast %mul3A_125 : i32 to index
        %swap3A_365 = tpu.vector_load %arg11[%swap3A_363, %swap3A_364] {strides = array<i32>} : memref<16x512xf32, #tpu.memory_space<vmem>>, vector<16xf32>,
        tpu.vector_store %arg11[%swap3A_363, %swap3A_364], %bitcast3A_361 {strides = array<i32>} : memref<16x512xf32, #tpu.memory_space<vmem>>, vector<16xf32>,
        %get3A_366 = arith.constant 10 : i32
        %get3A_367 = arith.index_cast %get3A_366 : i32 to index
        %get3A_368 = arith.index_cast %mul3A_125 : i32 to index
        %get3A_369 = tpu.vector_load %arg9[%get3A_367, %get3A_368] {strides = array<i32>} : memref<16x1024xf32, #tpu.memory_space<vmem>>, vector<16xf32>,
        %get3A_370 = arith.constant 10 : i32
        %get3A_371 = arith.index_cast %get3A_370 : i32 to index
        %get3A_372 = arith.index_cast %mul3A_125 : i32 to index
        %get3A_373 = tpu.vector_load %arg10[%get3A_371, %get3A_372] {strides = array<i32>} : memref<16x1024xf32, #tpu.memory_space<vmem>>, vector<16xf32>,
        %add3A_374 = arith.addf %get3A_369, %get3A_373 : vector<16xf32>
        %get3A_375 = arith.constant 10 : i32
        %get3A_376 = arith.index_cast %get3A_375 : i32 to index
        %get3A_377 = arith.index_cast %add3A_129 : i32 to index
        %get3A_378 = tpu.vector_load %arg9[%get3A_376, %get3A_377] {strides = array<i32>} : memref<16x1024xf32, #tpu.memory_space<vmem>>, vector<16xf32>,
        %get3A_379 = arith.constant 10 : i32
        %get3A_380 = arith.index_cast %get3A_379 : i32 to index
        %get3A_381 = arith.index_cast %add3A_129 : i32 to index
        %get3A_382 = tpu.vector_load %arg10[%get3A_380, %get3A_381] {strides = array<i32>} : memref<16x1024xf32, #tpu.memory_space<vmem>>, vector<16xf32>,
        %add3A_383 = arith.addf %get3A_378, %get3A_382 : vector<16xf32>
        %pack3A_384 = tpu.pack_subelements %add3A_374, %add3A_383 {pack_format = #tpu.pack_format<interleaved>, positions = array<i32: 0, 1>} : vector<16xf32>, vector<16xf32> -> vector<32xbf16>
        %bitcast3A_385 = vector.bitcast %pack3A_384 : vector<32xbf16> to vector<16xf32>
        %swap3A_386 = arith.constant 10 : i32
        %swap3A_387 = arith.index_cast %swap3A_386 : i32 to index
        %swap3A_388 = arith.index_cast %mul3A_125 : i32 to index
        %swap3A_389 = tpu.vector_load %arg11[%swap3A_387, %swap3A_388] {strides = array<i32>} : memref<16x512xf32, #tpu.memory_space<vmem>>, vector<16xf32>,
        tpu.vector_store %arg11[%swap3A_387, %swap3A_388], %bitcast3A_385 {strides = array<i32>} : memref<16x512xf32, #tpu.memory_space<vmem>>, vector<16xf32>,
        %get3A_390 = arith.constant 11 : i32
        %get3A_391 = arith.index_cast %get3A_390 : i32 to index
        %get3A_392 = arith.index_cast %mul3A_125 : i32 to index
        %get3A_393 = tpu.vector_load %arg9[%get3A_391, %get3A_392] {strides = array<i32>} : memref<16x1024xf32, #tpu.memory_space<vmem>>, vector<16xf32>,
        %get3A_394 = arith.constant 11 : i32
        %get3A_395 = arith.index_cast %get3A_394 : i32 to index
        %get3A_396 = arith.index_cast %mul3A_125 : i32 to index
        %get3A_397 = tpu.vector_load %arg10[%get3A_395, %get3A_396] {strides = array<i32>} : memref<16x1024xf32, #tpu.memory_space<vmem>>, vector<16xf32>,
        %add3A_398 = arith.addf %get3A_393, %get3A_397 : vector<16xf32>
        %get3A_399 = arith.constant 11 : i32
        %get3A_400 = arith.index_cast %get3A_399 : i32 to index
        %get3A_401 = arith.index_cast %add3A_129 : i32 to index
        %get3A_402 = tpu.vector_load %arg9[%get3A_400, %get3A_401] {strides = array<i32>} : memref<16x1024xf32, #tpu.memory_space<vmem>>, vector<16xf32>,
        %get3A_403 = arith.constant 11 : i32
        %get3A_404 = arith.index_cast %get3A_403 : i32 to index
        %get3A_405 = arith.index_cast %add3A_129 : i32 to index
        %get3A_406 = tpu.vector_load %arg10[%get3A_404, %get3A_405] {strides = array<i32>} : memref<16x1024xf32, #tpu.memory_space<vmem>>, vector<16xf32>,
        %add3A_407 = arith.addf %get3A_402, %get3A_406 : vector<16xf32>
        %pack3A_408 = tpu.pack_subelements %add3A_398, %add3A_407 {pack_format = #tpu.pack_format<interleaved>, positions = array<i32: 0, 1>} : vector<16xf32>, vector<16xf32> -> vector<32xbf16>
        %bitcast3A_409 = vector.bitcast %pack3A_408 : vector<32xbf16> to vector<16xf32>
        %swap3A_410 = arith.constant 11 : i32
        %swap3A_411 = arith.index_cast %swap3A_410 : i32 to index
        %swap3A_412 = arith.index_cast %mul3A_125 : i32 to index
        %swap3A_413 = tpu.vector_load %arg11[%swap3A_411, %swap3A_412] {strides = array<i32>} : memref<16x512xf32, #tpu.memory_space<vmem>>, vector<16xf32>,
        tpu.vector_store %arg11[%swap3A_411, %swap3A_412], %bitcast3A_409 {strides = array<i32>} : memref<16x512xf32, #tpu.memory_space<vmem>>, vector<16xf32>,
        %get3A_414 = arith.constant 12 : i32
        %get3A_415 = arith.index_cast %get3A_414 : i32 to index
        %get3A_416 = arith.index_cast %mul3A_125 : i32 to index
        %get3A_417 = tpu.vector_load %arg9[%get3A_415, %get3A_416] {strides = array<i32>} : memref<16x1024xf32, #tpu.memory_space<vmem>>, vector<16xf32>,
        %get3A_418 = arith.constant 12 : i32
        %get3A_419 = arith.index_cast %get3A_418 : i32 to index
        %get3A_420 = arith.index_cast %mul3A_125 : i32 to index
        %get3A_421 = tpu.vector_load %arg10[%get3A_419, %get3A_420] {strides = array<i32>} : memref<16x1024xf32, #tpu.memory_space<vmem>>, vector<16xf32>,
        %add3A_422 = arith.addf %get3A_417, %get3A_421 : vector<16xf32>
        %get3A_423 = arith.constant 12 : i32
        %get3A_424 = arith.index_cast %get3A_423 : i32 to index
        %get3A_425 = arith.index_cast %add3A_129 : i32 to index
        %get3A_426 = tpu.vector_load %arg9[%get3A_424, %get3A_425] {strides = array<i32>} : memref<16x1024xf32, #tpu.memory_space<vmem>>, vector<16xf32>,
        %get3A_427 = arith.constant 12 : i32
        %get3A_428 = arith.index_cast %get3A_427 : i32 to index
        %get3A_429 = arith.index_cast %add3A_129 : i32 to index
        %get3A_430 = tpu.vector_load %arg10[%get3A_428, %get3A_429] {strides = array<i32>} : memref<16x1024xf32, #tpu.memory_space<vmem>>, vector<16xf32>,
        %add3A_431 = arith.addf %get3A_426, %get3A_430 : vector<16xf32>
        %pack3A_432 = tpu.pack_subelements %add3A_422, %add3A_431 {pack_format = #tpu.pack_format<interleaved>, positions = array<i32: 0, 1>} : vector<16xf32>, vector<16xf32> -> vector<32xbf16>
        %bitcast3A_433 = vector.bitcast %pack3A_432 : vector<32xbf16> to vector<16xf32>
        %swap3A_434 = arith.constant 12 : i32
        %swap3A_435 = arith.index_cast %swap3A_434 : i32 to index
        %swap3A_436 = arith.index_cast %mul3A_125 : i32 to index
        %swap3A_437 = tpu.vector_load %arg11[%swap3A_435, %swap3A_436] {strides = array<i32>} : memref<16x512xf32, #tpu.memory_space<vmem>>, vector<16xf32>,
        tpu.vector_store %arg11[%swap3A_435, %swap3A_436], %bitcast3A_433 {strides = array<i32>} : memref<16x512xf32, #tpu.memory_space<vmem>>, vector<16xf32>,
        %get3A_438 = arith.constant 13 : i32
        %get3A_439 = arith.index_cast %get3A_438 : i32 to index
        %get3A_440 = arith.index_cast %mul3A_125 : i32 to index
        %get3A_441 = tpu.vector_load %arg9[%get3A_439, %get3A_440] {strides = array<i32>} : memref<16x1024xf32, #tpu.memory_space<vmem>>, vector<16xf32>,
        %get3A_442 = arith.constant 13 : i32
        %get3A_443 = arith.index_cast %get3A_442 : i32 to index
        %get3A_444 = arith.index_cast %mul3A_125 : i32 to index
        %get3A_445 = tpu.vector_load %arg10[%get3A_443, %get3A_444] {strides = array<i32>} : memref<16x1024xf32, #tpu.memory_space<vmem>>, vector<16xf32>,
        %add3A_446 = arith.addf %get3A_441, %get3A_445 : vector<16xf32>
        %get3A_447 = arith.constant 13 : i32
        %get3A_448 = arith.index_cast %get3A_447 : i32 to index
        %get3A_449 = arith.index_cast %add3A_129 : i32 to index
        %get3A_450 = tpu.vector_load %arg9[%get3A_448, %get3A_449] {strides = array<i32>} : memref<16x1024xf32, #tpu.memory_space<vmem>>, vector<16xf32>,
        %get3A_451 = arith.constant 13 : i32
        %get3A_452 = arith.index_cast %get3A_451 : i32 to index
        %get3A_453 = arith.index_cast %add3A_129 : i32 to index
        %get3A_454 = tpu.vector_load %arg10[%get3A_452, %get3A_453] {strides = array<i32>} : memref<16x1024xf32, #tpu.memory_space<vmem>>, vector<16xf32>,
        %add3A_455 = arith.addf %get3A_450, %get3A_454 : vector<16xf32>
        %pack3A_456 = tpu.pack_subelements %add3A_446, %add3A_455 {pack_format = #tpu.pack_format<interleaved>, positions = array<i32: 0, 1>} : vector<16xf32>, vector<16xf32> -> vector<32xbf16>
        %bitcast3A_457 = vector.bitcast %pack3A_456 : vector<32xbf16> to vector<16xf32>
        %swap3A_458 = arith.constant 13 : i32
        %swap3A_459 = arith.index_cast %swap3A_458 : i32 to index
        %swap3A_460 = arith.index_cast %mul3A_125 : i32 to index
        %swap3A_461 = tpu.vector_load %arg11[%swap3A_459, %swap3A_460] {strides = array<i32>} : memref<16x512xf32, #tpu.memory_space<vmem>>, vector<16xf32>,
        tpu.vector_store %arg11[%swap3A_459, %swap3A_460], %bitcast3A_457 {strides = array<i32>} : memref<16x512xf32, #tpu.memory_space<vmem>>, vector<16xf32>,
        %get3A_462 = arith.constant 14 : i32
        %get3A_463 = arith.index_cast %get3A_462 : i32 to index
        %get3A_464 = arith.index_cast %mul3A_125 : i32 to index
        %get3A_465 = tpu.vector_load %arg9[%get3A_463, %get3A_464] {strides = array<i32>} : memref<16x1024xf32, #tpu.memory_space<vmem>>, vector<16xf32>,
        %get3A_466 = arith.constant 14 : i32
        %get3A_467 = arith.index_cast %get3A_466 : i32 to index
        %get3A_468 = arith.index_cast %mul3A_125 : i32 to index
        %get3A_469 = tpu.vector_load %arg10[%get3A_467, %get3A_468] {strides = array<i32>} : memref<16x1024xf32, #tpu.memory_space<vmem>>, vector<16xf32>,
        %add3A_470 = arith.addf %get3A_465, %get3A_469 : vector<16xf32>
        %get3A_471 = arith.constant 14 : i32
        %get3A_472 = arith.index_cast %get3A_471 : i32 to index
        %get3A_473 = arith.index_cast %add3A_129 : i32 to index
        %get3A_474 = tpu.vector_load %arg9[%get3A_472, %get3A_473] {strides = array<i32>} : memref<16x1024xf32, #tpu.memory_space<vmem>>, vector<16xf32>,
        %get3A_475 = arith.constant 14 : i32
        %get3A_476 = arith.index_cast %get3A_475 : i32 to index
        %get3A_477 = arith.index_cast %add3A_129 : i32 to index
        %get3A_478 = tpu.vector_load %arg10[%get3A_476, %get3A_477] {strides = array<i32>} : memref<16x1024xf32, #tpu.memory_space<vmem>>, vector<16xf32>,
        %add3A_479 = arith.addf %get3A_474, %get3A_478 : vector<16xf32>
        %pack3A_480 = tpu.pack_subelements %add3A_470, %add3A_479 {pack_format = #tpu.pack_format<interleaved>, positions = array<i32: 0, 1>} : vector<16xf32>, vector<16xf32> -> vector<32xbf16>
        %bitcast3A_481 = vector.bitcast %pack3A_480 : vector<32xbf16> to vector<16xf32>
        %swap3A_482 = arith.constant 14 : i32
        %swap3A_483 = arith.index_cast %swap3A_482 : i32 to index
        %swap3A_484 = arith.index_cast %mul3A_125 : i32 to index
        %swap3A_485 = tpu.vector_load %arg11[%swap3A_483, %swap3A_484] {strides = array<i32>} : memref<16x512xf32, #tpu.memory_space<vmem>>, vector<16xf32>,
        tpu.vector_store %arg11[%swap3A_483, %swap3A_484], %bitcast3A_481 {strides = array<i32>} : memref<16x512xf32, #tpu.memory_space<vmem>>, vector<16xf32>,
        %get3A_486 = arith.constant 15 : i32
        %get3A_487 = arith.index_cast %get3A_486 : i32 to index
        %get3A_488 = arith.index_cast %mul3A_125 : i32 to index
        %get3A_489 = tpu.vector_load %arg9[%get3A_487, %get3A_488] {strides = array<i32>} : memref<16x1024xf32, #tpu.memory_space<vmem>>, vector<16xf32>,
        %get3A_490 = arith.constant 15 : i32
        %get3A_491 = arith.index_cast %get3A_490 : i32 to index
        %get3A_492 = arith.index_cast %mul3A_125 : i32 to index
        %get3A_493 = tpu.vector_load %arg10[%get3A_491, %get3A_492] {strides = array<i32>} : memref<16x1024xf32, #tpu.memory_space<vmem>>, vector<16xf32>,
        %add3A_494 = arith.addf %get3A_489, %get3A_493 : vector<16xf32>
        %get3A_495 = arith.constant 15 : i32
        %get3A_496 = arith.index_cast %get3A_495 : i32 to index
        %get3A_497 = arith.index_cast %add3A_129 : i32 to index
        %get3A_498 = tpu.vector_load %arg9[%get3A_496, %get3A_497] {strides = array<i32>} : memref<16x1024xf32, #tpu.memory_space<vmem>>, vector<16xf32>,
        %get3A_499 = arith.constant 15 : i32
        %get3A_500 = arith.index_cast %get3A_499 : i32 to index
        %get3A_501 = arith.index_cast %add3A_129 : i32 to index
        %get3A_502 = tpu.vector_load %arg10[%get3A_500, %get3A_501] {strides = array<i32>} : memref<16x1024xf32, #tpu.memory_space<vmem>>, vector<16xf32>,
        %add3A_503 = arith.addf %get3A_498, %get3A_502 : vector<16xf32>
        %pack3A_504 = tpu.pack_subelements %add3A_494, %add3A_503 {pack_format = #tpu.pack_format<interleaved>, positions = array<i32: 0, 1>} : vector<16xf32>, vector<16xf32> -> vector<32xbf16>
        %bitcast3A_505 = vector.bitcast %pack3A_504 : vector<32xbf16> to vector<16xf32>
        %swap3A_506 = arith.constant 15 : i32
        %swap3A_507 = arith.index_cast %swap3A_506 : i32 to index
        %swap3A_508 = arith.index_cast %mul3A_125 : i32 to index
        %swap3A_509 = tpu.vector_load %arg11[%swap3A_507, %swap3A_508] {strides = array<i32>} : memref<16x512xf32, #tpu.memory_space<vmem>>, vector<16xf32>,
        tpu.vector_store %arg11[%swap3A_507, %swap3A_508], %bitcast3A_505 {strides = array<i32>} : memref<16x512xf32, #tpu.memory_space<vmem>>, vector<16xf32>,
        %scan3A_510 = arith.constant 0 : i32
        scf.yield %scan3A_510 : i32
      }
      %scan3A_65 = arith.constant 32 : i32
      %mul3A_66 = arith.constant 16 : i32
      %mul3A_67 = arith.muli %add3A_44, %mul3A_66 : i32
      %add3A_68 = arith.addi %mul3A_2, %mul3A_67 : i32
      %dma_start3A_69 = arith.constant 0 : i32
      %dma_start3A_70 = tpu.memref_slice %arg6[%add3A_68, %dma_start3A_69] : memref<8192x512xf32, #tpu.memory_space<hbm>> -> memref<16x512xf32, #tpu.memory_space<hbm>>
      %dma_start3A_71 = arith.constant 0 : i32
      %dma_start3A_72 = tpu.memref_slice %arg6[%add3A_68, %dma_start3A_71] : memref<8192x512xf32, #tpu.memory_space<hbm>> -> memref<16x512xf32, #tpu.memory_space<hbm>>
      tpu.enqueue_dma source(%arg11 : memref<16x512xf32, #tpu.memory_space<vmem>>) target(%dma_start3A_72 : memref<16x512xf32, #tpu.memory_space<hbm>>) target_semaphore(%arg17 : memref<!tpu.dma_semaphore, #tpu.memory_space<semaphore_mem>>)
      %add3A_73 = arith.constant 2 : i32
      %add3A_74 = arith.addi %add3A_44, %add3A_73 : i32
      %lt3A = arith.constant 16 : i32
      %lt3A_75 = arith.cmpi slt, %add3A_74, %lt3A : i32
      %convert_element_type3A_76 = arith.extui %lt3A_75 : i1 to i32
      %cond3A_77 = arith.constant 0 : i32
      %cond3A_78 = arith.cmpi ne, %convert_element_type3A_76, %cond3A_77 : i32
      scf.if %cond3A_78 {
        %add3A_122 = arith.constant 2 : i32
        %add3A_123 = arith.addi %add3A_44, %add3A_122 : i32
        %mul3A_124 = arith.constant 16 : i32
        %mul3A_125 = arith.muli %add3A_123, %mul3A_124 : i32
        %dma_start3A_126 = tpu.memref_slice %arg7[%mul3A_125] : memref<256xi32, #tpu.memory_space<vmem>> -> memref<16xi32, #tpu.memory_space<vmem>>
        %dma_start3A_127 = arith.constant 0 : i32
        %dma_start3A_128 = arith.constant 0 : i32
        %dma_start3A_129 = tpu.memref_slice %arg4[%dma_start3A_127, %dma_start3A_128] : memref<30522x1024xf32, #tpu.memory_space<hbm>> -> memref<30522x1024xf32, #tpu.memory_space<hbm>>
        tpu.enqueue_indirect_dma source(%dma_start3A_129 : memref<30522x1024xf32, #tpu.memory_space<hbm>>) target(%arg9 : memref<16x1024xf32, #tpu.memory_space<vmem>>) offsets(%dma_start3A_126 : memref<16xi32, #tpu.memory_space<vmem>>) semaphore(%arg15 : memref<!tpu.dma_semaphore, #tpu.memory_space<semaphore_mem>>)
        %mul3A_130 = arith.constant 16 : i32
        %mul3A_131 = arith.muli %add3A_123, %mul3A_130 : i32
        %dma_start3A_132 = tpu.memref_slice %arg8[%mul3A_131] : memref<256xi32, #tpu.memory_space<vmem>> -> memref<16xi32, #tpu.memory_space<vmem>>
        %dma_start3A_133 = arith.constant 0 : i32
        %dma_start3A_134 = arith.constant 0 : i32
        %dma_start3A_135 = tpu.memref_slice %arg5[%dma_start3A_133, %dma_start3A_134] : memref<2048x1024xf32, #tpu.memory_space<hbm>> -> memref<2048x1024xf32, #tpu.memory_space<hbm>>
        tpu.enqueue_indirect_dma source(%dma_start3A_135 : memref<2048x1024xf32, #tpu.memory_space<hbm>>) target(%arg10 : memref<16x1024xf32, #tpu.memory_space<vmem>>) offsets(%dma_start3A_132 : memref<16xi32, #tpu.memory_space<vmem>>) semaphore(%arg16 : memref<!tpu.dma_semaphore, #tpu.memory_space<semaphore_mem>>)
      } else {
      }
      %mul3A_79 = arith.constant 2 : i32
      %mul3A_80 = arith.muli %mul3A_79, %scan3A_39 : i32
      %add3A_81 = arith.constant 1 : i32
      %add3A_82 = arith.addi %mul3A_80, %add3A_81 : i32
      %dma_wait3A_83 = arith.constant 0 : i32
      %dma_wait3A_84 = arith.constant 0 : i32
      %dma_wait3A_85 = tpu.memref_slice %arg4[%dma_wait3A_83, %dma_wait3A_84] : memref<30522x1024xf32, #tpu.memory_space<hbm>> -> memref<16x1024xf32, #tpu.memory_space<hbm>>
      %dma_wait3A_86 = arith.constant 0 : i32
      %dma_wait3A_87 = arith.constant 0 : i32
      %dma_wait3A_88 = tpu.memref_slice %arg4[%dma_wait3A_86, %dma_wait3A_87] : memref<30522x1024xf32, #tpu.memory_space<hbm>> -> memref<16x1024xf32, #tpu.memory_space<hbm>>
      tpu.wait_dma2 semaphore(%arg18 : memref<!tpu.dma_semaphore, #tpu.memory_space<semaphore_mem>>) src(%dma_wait3A_88 : memref<16x1024xf32, #tpu.memory_space<hbm>>) dst(%arg12 : memref<16x1024xf32, #tpu.memory_space<vmem>>)
      %dma_wait3A_89 = arith.constant 0 : i32
      %dma_wait3A_90 = arith.constant 0 : i32
      %dma_wait3A_91 = tpu.memref_slice %arg5[%dma_wait3A_89, %dma_wait3A_90] : memref<2048x1024xf32, #tpu.memory_space<hbm>> -> memref<16x1024xf32, #tpu.memory_space<hbm>>
      %dma_wait3A_92 = arith.constant 0 : i32
      %dma_wait3A_93 = arith.constant 0 : i32
      %dma_wait3A_94 = tpu.memref_slice %arg5[%dma_wait3A_92, %dma_wait3A_93] : memref<2048x1024xf32, #tpu.memory_space<hbm>> -> memref<16x1024xf32, #tpu.memory_space<hbm>>
      tpu.wait_dma2 semaphore(%arg19 : memref<!tpu.dma_semaphore, #tpu.memory_space<semaphore_mem>>) src(%dma_wait3A_94 : memref<16x1024xf32, #tpu.memory_space<hbm>>) dst(%arg13 : memref<16x1024xf32, #tpu.memory_space<vmem>>)
      %ge3A_95 = arith.constant 2 : i32
      %ge3A_96 = arith.cmpi sge, %add3A_82, %ge3A_95 : i32
      %convert_element_type3A_97 = arith.extui %ge3A_96 : i1 to i32
      %cond3A_98 = arith.constant 0 : i32
      %cond3A_99 = arith.cmpi ne, %convert_element_type3A_97, %cond3A_98 : i32
      scf.if %cond3A_99 {
        %dma_wait3A_122 = arith.constant 0 : i32
        %dma_wait3A_123 = arith.constant 0 : i32
        %dma_wait3A_124 = tpu.memref_slice %arg6[%dma_wait3A_122, %dma_wait3A_123] : memref<8192x512xf32, #tpu.memory_space<hbm>> -> memref<16x512xf32, #tpu.memory_space<hbm>>
        %dma_wait3A_125 = arith.constant 0 : i32
        %dma_wait3A_126 = arith.constant 0 : i32
        %dma_wait3A_127 = tpu.memref_slice %arg6[%dma_wait3A_125, %dma_wait3A_126] : memref<8192x512xf32, #tpu.memory_space<hbm>> -> memref<16x512xf32, #tpu.memory_space<hbm>>
        tpu.wait_dma2 semaphore(%arg20 : memref<!tpu.dma_semaphore, #tpu.memory_space<semaphore_mem>>) src(%arg14 : memref<16x512xf32, #tpu.memory_space<vmem>>) dst(%dma_wait3A_127 : memref<16x512xf32, #tpu.memory_space<hbm>>)
      } else {
      }
      %scan3A_100 = arith.constant 0 : i32
      %scan3A_101 = arith.constant 0 : i32
      %scan3A_102 = arith.constant 32 : i32
      %scan3A_103 = arith.addi %scan3A_101, %scan3A_102 : i32
      %scan3A_104 = arith.constant 1 : i32
      %scan3A_105 = scf.for %scan3A_122 = %scan3A_101 to %scan3A_103 step %scan3A_104 iter_args(%scan3A_123 = %scan3A_100) -> (i32)  : i32 {
        %mul3A_124 = arith.constant 16 : i32
        %mul3A_125 = arith.muli %scan3A_122, %mul3A_124 : i32
        %mul3A_126 = arith.constant 16 : i32
        %mul3A_127 = arith.muli %scan3A_122, %mul3A_126 : i32
        %add3A_128 = arith.constant 512 : i32
        %add3A_129 = arith.addi %mul3A_127, %add3A_128 : i32
        %get3A = arith.constant 0 : i32
        %get3A_130 = arith.index_cast %get3A : i32 to index
        %get3A_131 = arith.index_cast %mul3A_125 : i32 to index
        %get3A_132 = tpu.vector_load %arg12[%get3A_130, %get3A_131] {strides = array<i32>} : memref<16x1024xf32, #tpu.memory_space<vmem>>, vector<16xf32>,
        %get3A_133 = arith.constant 0 : i32
        %get3A_134 = arith.index_cast %get3A_133 : i32 to index
        %get3A_135 = arith.index_cast %mul3A_125 : i32 to index
        %get3A_136 = tpu.vector_load %arg13[%get3A_134, %get3A_135] {strides = array<i32>} : memref<16x1024xf32, #tpu.memory_space<vmem>>, vector<16xf32>,
        %add3A_137 = arith.addf %get3A_132, %get3A_136 : vector<16xf32>
        %get3A_138 = arith.constant 0 : i32
        %get3A_139 = arith.index_cast %get3A_138 : i32 to index
        %get3A_140 = arith.index_cast %add3A_129 : i32 to index
        %get3A_141 = tpu.vector_load %arg12[%get3A_139, %get3A_140] {strides = array<i32>} : memref<16x1024xf32, #tpu.memory_space<vmem>>, vector<16xf32>,
        %get3A_142 = arith.constant 0 : i32
        %get3A_143 = arith.index_cast %get3A_142 : i32 to index
        %get3A_144 = arith.index_cast %add3A_129 : i32 to index
        %get3A_145 = tpu.vector_load %arg13[%get3A_143, %get3A_144] {strides = array<i32>} : memref<16x1024xf32, #tpu.memory_space<vmem>>, vector<16xf32>,
        %add3A_146 = arith.addf %get3A_141, %get3A_145 : vector<16xf32>
        %pack3A = tpu.pack_subelements %add3A_137, %add3A_146 {pack_format = #tpu.pack_format<interleaved>, positions = array<i32: 0, 1>} : vector<16xf32>, vector<16xf32> -> vector<32xbf16>
        %bitcast3A = vector.bitcast %pack3A : vector<32xbf16> to vector<16xf32>
        %swap3A = arith.constant 0 : i32
        %swap3A_147 = arith.index_cast %swap3A : i32 to index
        %swap3A_148 = arith.index_cast %mul3A_125 : i32 to index
        %swap3A_149 = tpu.vector_load %arg14[%swap3A_147, %swap3A_148] {strides = array<i32>} : memref<16x512xf32, #tpu.memory_space<vmem>>, vector<16xf32>,
        tpu.vector_store %arg14[%swap3A_147, %swap3A_148], %bitcast3A {strides = array<i32>} : memref<16x512xf32, #tpu.memory_space<vmem>>, vector<16xf32>,
        %get3A_150 = arith.constant 1 : i32
        %get3A_151 = arith.index_cast %get3A_150 : i32 to index
        %get3A_152 = arith.index_cast %mul3A_125 : i32 to index
        %get3A_153 = tpu.vector_load %arg12[%get3A_151, %get3A_152] {strides = array<i32>} : memref<16x1024xf32, #tpu.memory_space<vmem>>, vector<16xf32>,
        %get3A_154 = arith.constant 1 : i32
        %get3A_155 = arith.index_cast %get3A_154 : i32 to index
        %get3A_156 = arith.index_cast %mul3A_125 : i32 to index
        %get3A_157 = tpu.vector_load %arg13[%get3A_155, %get3A_156] {strides = array<i32>} : memref<16x1024xf32, #tpu.memory_space<vmem>>, vector<16xf32>,
        %add3A_158 = arith.addf %get3A_153, %get3A_157 : vector<16xf32>
        %get3A_159 = arith.constant 1 : i32
        %get3A_160 = arith.index_cast %get3A_159 : i32 to index
        %get3A_161 = arith.index_cast %add3A_129 : i32 to index
        %get3A_162 = tpu.vector_load %arg12[%get3A_160, %get3A_161] {strides = array<i32>} : memref<16x1024xf32, #tpu.memory_space<vmem>>, vector<16xf32>,
        %get3A_163 = arith.constant 1 : i32
        %get3A_164 = arith.index_cast %get3A_163 : i32 to index
        %get3A_165 = arith.index_cast %add3A_129 : i32 to index
        %get3A_166 = tpu.vector_load %arg13[%get3A_164, %get3A_165] {strides = array<i32>} : memref<16x1024xf32, #tpu.memory_space<vmem>>, vector<16xf32>,
        %add3A_167 = arith.addf %get3A_162, %get3A_166 : vector<16xf32>
        %pack3A_168 = tpu.pack_subelements %add3A_158, %add3A_167 {pack_format = #tpu.pack_format<interleaved>, positions = array<i32: 0, 1>} : vector<16xf32>, vector<16xf32> -> vector<32xbf16>
        %bitcast3A_169 = vector.bitcast %pack3A_168 : vector<32xbf16> to vector<16xf32>
        %swap3A_170 = arith.constant 1 : i32
        %swap3A_171 = arith.index_cast %swap3A_170 : i32 to index
        %swap3A_172 = arith.index_cast %mul3A_125 : i32 to index
        %swap3A_173 = tpu.vector_load %arg14[%swap3A_171, %swap3A_172] {strides = array<i32>} : memref<16x512xf32, #tpu.memory_space<vmem>>, vector<16xf32>,
        tpu.vector_store %arg14[%swap3A_171, %swap3A_172], %bitcast3A_169 {strides = array<i32>} : memref<16x512xf32, #tpu.memory_space<vmem>>, vector<16xf32>,
        %get3A_174 = arith.constant 2 : i32
        %get3A_175 = arith.index_cast %get3A_174 : i32 to index
        %get3A_176 = arith.index_cast %mul3A_125 : i32 to index
        %get3A_177 = tpu.vector_load %arg12[%get3A_175, %get3A_176] {strides = array<i32>} : memref<16x1024xf32, #tpu.memory_space<vmem>>, vector<16xf32>,
        %get3A_178 = arith.constant 2 : i32
        %get3A_179 = arith.index_cast %get3A_178 : i32 to index
        %get3A_180 = arith.index_cast %mul3A_125 : i32 to index
        %get3A_181 = tpu.vector_load %arg13[%get3A_179, %get3A_180] {strides = array<i32>} : memref<16x1024xf32, #tpu.memory_space<vmem>>, vector<16xf32>,
        %add3A_182 = arith.addf %get3A_177, %get3A_181 : vector<16xf32>
        %get3A_183 = arith.constant 2 : i32
        %get3A_184 = arith.index_cast %get3A_183 : i32 to index
        %get3A_185 = arith.index_cast %add3A_129 : i32 to index
        %get3A_186 = tpu.vector_load %arg12[%get3A_184, %get3A_185] {strides = array<i32>} : memref<16x1024xf32, #tpu.memory_space<vmem>>, vector<16xf32>,
        %get3A_187 = arith.constant 2 : i32
        %get3A_188 = arith.index_cast %get3A_187 : i32 to index
        %get3A_189 = arith.index_cast %add3A_129 : i32 to index
        %get3A_190 = tpu.vector_load %arg13[%get3A_188, %get3A_189] {strides = array<i32>} : memref<16x1024xf32, #tpu.memory_space<vmem>>, vector<16xf32>,
        %add3A_191 = arith.addf %get3A_186, %get3A_190 : vector<16xf32>
        %pack3A_192 = tpu.pack_subelements %add3A_182, %add3A_191 {pack_format = #tpu.pack_format<interleaved>, positions = array<i32: 0, 1>} : vector<16xf32>, vector<16xf32> -> vector<32xbf16>
        %bitcast3A_193 = vector.bitcast %pack3A_192 : vector<32xbf16> to vector<16xf32>
        %swap3A_194 = arith.constant 2 : i32
        %swap3A_195 = arith.index_cast %swap3A_194 : i32 to index
        %swap3A_196 = arith.index_cast %mul3A_125 : i32 to index
        %swap3A_197 = tpu.vector_load %arg14[%swap3A_195, %swap3A_196] {strides = array<i32>} : memref<16x512xf32, #tpu.memory_space<vmem>>, vector<16xf32>,
        tpu.vector_store %arg14[%swap3A_195, %swap3A_196], %bitcast3A_193 {strides = array<i32>} : memref<16x512xf32, #tpu.memory_space<vmem>>, vector<16xf32>,
        %get3A_198 = arith.constant 3 : i32
        %get3A_199 = arith.index_cast %get3A_198 : i32 to index
        %get3A_200 = arith.index_cast %mul3A_125 : i32 to index
        %get3A_201 = tpu.vector_load %arg12[%get3A_199, %get3A_200] {strides = array<i32>} : memref<16x1024xf32, #tpu.memory_space<vmem>>, vector<16xf32>,
        %get3A_202 = arith.constant 3 : i32
        %get3A_203 = arith.index_cast %get3A_202 : i32 to index
        %get3A_204 = arith.index_cast %mul3A_125 : i32 to index
        %get3A_205 = tpu.vector_load %arg13[%get3A_203, %get3A_204] {strides = array<i32>} : memref<16x1024xf32, #tpu.memory_space<vmem>>, vector<16xf32>,
        %add3A_206 = arith.addf %get3A_201, %get3A_205 : vector<16xf32>
        %get3A_207 = arith.constant 3 : i32
        %get3A_208 = arith.index_cast %get3A_207 : i32 to index
        %get3A_209 = arith.index_cast %add3A_129 : i32 to index
        %get3A_210 = tpu.vector_load %arg12[%get3A_208, %get3A_209] {strides = array<i32>} : memref<16x1024xf32, #tpu.memory_space<vmem>>, vector<16xf32>,
        %get3A_211 = arith.constant 3 : i32
        %get3A_212 = arith.index_cast %get3A_211 : i32 to index
        %get3A_213 = arith.index_cast %add3A_129 : i32 to index
        %get3A_214 = tpu.vector_load %arg13[%get3A_212, %get3A_213] {strides = array<i32>} : memref<16x1024xf32, #tpu.memory_space<vmem>>, vector<16xf32>,
        %add3A_215 = arith.addf %get3A_210, %get3A_214 : vector<16xf32>
        %pack3A_216 = tpu.pack_subelements %add3A_206, %add3A_215 {pack_format = #tpu.pack_format<interleaved>, positions = array<i32: 0, 1>} : vector<16xf32>, vector<16xf32> -> vector<32xbf16>
        %bitcast3A_217 = vector.bitcast %pack3A_216 : vector<32xbf16> to vector<16xf32>
        %swap3A_218 = arith.constant 3 : i32
        %swap3A_219 = arith.index_cast %swap3A_218 : i32 to index
        %swap3A_220 = arith.index_cast %mul3A_125 : i32 to index
        %swap3A_221 = tpu.vector_load %arg14[%swap3A_219, %swap3A_220] {strides = array<i32>} : memref<16x512xf32, #tpu.memory_space<vmem>>, vector<16xf32>,
        tpu.vector_store %arg14[%swap3A_219, %swap3A_220], %bitcast3A_217 {strides = array<i32>} : memref<16x512xf32, #tpu.memory_space<vmem>>, vector<16xf32>,
        %get3A_222 = arith.constant 4 : i32
        %get3A_223 = arith.index_cast %get3A_222 : i32 to index
        %get3A_224 = arith.index_cast %mul3A_125 : i32 to index
        %get3A_225 = tpu.vector_load %arg12[%get3A_223, %get3A_224] {strides = array<i32>} : memref<16x1024xf32, #tpu.memory_space<vmem>>, vector<16xf32>,
        %get3A_226 = arith.constant 4 : i32
        %get3A_227 = arith.index_cast %get3A_226 : i32 to index
        %get3A_228 = arith.index_cast %mul3A_125 : i32 to index
        %get3A_229 = tpu.vector_load %arg13[%get3A_227, %get3A_228] {strides = array<i32>} : memref<16x1024xf32, #tpu.memory_space<vmem>>, vector<16xf32>,
        %add3A_230 = arith.addf %get3A_225, %get3A_229 : vector<16xf32>
        %get3A_231 = arith.constant 4 : i32
        %get3A_232 = arith.index_cast %get3A_231 : i32 to index
        %get3A_233 = arith.index_cast %add3A_129 : i32 to index
        %get3A_234 = tpu.vector_load %arg12[%get3A_232, %get3A_233] {strides = array<i32>} : memref<16x1024xf32, #tpu.memory_space<vmem>>, vector<16xf32>,
        %get3A_235 = arith.constant 4 : i32
        %get3A_236 = arith.index_cast %get3A_235 : i32 to index
        %get3A_237 = arith.index_cast %add3A_129 : i32 to index
        %get3A_238 = tpu.vector_load %arg13[%get3A_236, %get3A_237] {strides = array<i32>} : memref<16x1024xf32, #tpu.memory_space<vmem>>, vector<16xf32>,
        %add3A_239 = arith.addf %get3A_234, %get3A_238 : vector<16xf32>
        %pack3A_240 = tpu.pack_subelements %add3A_230, %add3A_239 {pack_format = #tpu.pack_format<interleaved>, positions = array<i32: 0, 1>} : vector<16xf32>, vector<16xf32> -> vector<32xbf16>
        %bitcast3A_241 = vector.bitcast %pack3A_240 : vector<32xbf16> to vector<16xf32>
        %swap3A_242 = arith.constant 4 : i32
        %swap3A_243 = arith.index_cast %swap3A_242 : i32 to index
        %swap3A_244 = arith.index_cast %mul3A_125 : i32 to index
        %swap3A_245 = tpu.vector_load %arg14[%swap3A_243, %swap3A_244] {strides = array<i32>} : memref<16x512xf32, #tpu.memory_space<vmem>>, vector<16xf32>,
        tpu.vector_store %arg14[%swap3A_243, %swap3A_244], %bitcast3A_241 {strides = array<i32>} : memref<16x512xf32, #tpu.memory_space<vmem>>, vector<16xf32>,
        %get3A_246 = arith.constant 5 : i32
        %get3A_247 = arith.index_cast %get3A_246 : i32 to index
        %get3A_248 = arith.index_cast %mul3A_125 : i32 to index
        %get3A_249 = tpu.vector_load %arg12[%get3A_247, %get3A_248] {strides = array<i32>} : memref<16x1024xf32, #tpu.memory_space<vmem>>, vector<16xf32>,
        %get3A_250 = arith.constant 5 : i32
        %get3A_251 = arith.index_cast %get3A_250 : i32 to index
        %get3A_252 = arith.index_cast %mul3A_125 : i32 to index
        %get3A_253 = tpu.vector_load %arg13[%get3A_251, %get3A_252] {strides = array<i32>} : memref<16x1024xf32, #tpu.memory_space<vmem>>, vector<16xf32>,
        %add3A_254 = arith.addf %get3A_249, %get3A_253 : vector<16xf32>
        %get3A_255 = arith.constant 5 : i32
        %get3A_256 = arith.index_cast %get3A_255 : i32 to index
        %get3A_257 = arith.index_cast %add3A_129 : i32 to index
        %get3A_258 = tpu.vector_load %arg12[%get3A_256, %get3A_257] {strides = array<i32>} : memref<16x1024xf32, #tpu.memory_space<vmem>>, vector<16xf32>,
        %get3A_259 = arith.constant 5 : i32
        %get3A_260 = arith.index_cast %get3A_259 : i32 to index
        %get3A_261 = arith.index_cast %add3A_129 : i32 to index
        %get3A_262 = tpu.vector_load %arg13[%get3A_260, %get3A_261] {strides = array<i32>} : memref<16x1024xf32, #tpu.memory_space<vmem>>, vector<16xf32>,
        %add3A_263 = arith.addf %get3A_258, %get3A_262 : vector<16xf32>
        %pack3A_264 = tpu.pack_subelements %add3A_254, %add3A_263 {pack_format = #tpu.pack_format<interleaved>, positions = array<i32: 0, 1>} : vector<16xf32>, vector<16xf32> -> vector<32xbf16>
        %bitcast3A_265 = vector.bitcast %pack3A_264 : vector<32xbf16> to vector<16xf32>
        %swap3A_266 = arith.constant 5 : i32
        %swap3A_267 = arith.index_cast %swap3A_266 : i32 to index
        %swap3A_268 = arith.index_cast %mul3A_125 : i32 to index
        %swap3A_269 = tpu.vector_load %arg14[%swap3A_267, %swap3A_268] {strides = array<i32>} : memref<16x512xf32, #tpu.memory_space<vmem>>, vector<16xf32>,
        tpu.vector_store %arg14[%swap3A_267, %swap3A_268], %bitcast3A_265 {strides = array<i32>} : memref<16x512xf32, #tpu.memory_space<vmem>>, vector<16xf32>,
        %get3A_270 = arith.constant 6 : i32
        %get3A_271 = arith.index_cast %get3A_270 : i32 to index
        %get3A_272 = arith.index_cast %mul3A_125 : i32 to index
        %get3A_273 = tpu.vector_load %arg12[%get3A_271, %get3A_272] {strides = array<i32>} : memref<16x1024xf32, #tpu.memory_space<vmem>>, vector<16xf32>,
        %get3A_274 = arith.constant 6 : i32
        %get3A_275 = arith.index_cast %get3A_274 : i32 to index
        %get3A_276 = arith.index_cast %mul3A_125 : i32 to index
        %get3A_277 = tpu.vector_load %arg13[%get3A_275, %get3A_276] {strides = array<i32>} : memref<16x1024xf32, #tpu.memory_space<vmem>>, vector<16xf32>,
        %add3A_278 = arith.addf %get3A_273, %get3A_277 : vector<16xf32>
        %get3A_279 = arith.constant 6 : i32
        %get3A_280 = arith.index_cast %get3A_279 : i32 to index
        %get3A_281 = arith.index_cast %add3A_129 : i32 to index
        %get3A_282 = tpu.vector_load %arg12[%get3A_280, %get3A_281] {strides = array<i32>} : memref<16x1024xf32, #tpu.memory_space<vmem>>, vector<16xf32>,
        %get3A_283 = arith.constant 6 : i32
        %get3A_284 = arith.index_cast %get3A_283 : i32 to index
        %get3A_285 = arith.index_cast %add3A_129 : i32 to index
        %get3A_286 = tpu.vector_load %arg13[%get3A_284, %get3A_285] {strides = array<i32>} : memref<16x1024xf32, #tpu.memory_space<vmem>>, vector<16xf32>,
        %add3A_287 = arith.addf %get3A_282, %get3A_286 : vector<16xf32>
        %pack3A_288 = tpu.pack_subelements %add3A_278, %add3A_287 {pack_format = #tpu.pack_format<interleaved>, positions = array<i32: 0, 1>} : vector<16xf32>, vector<16xf32> -> vector<32xbf16>
        %bitcast3A_289 = vector.bitcast %pack3A_288 : vector<32xbf16> to vector<16xf32>
        %swap3A_290 = arith.constant 6 : i32
        %swap3A_291 = arith.index_cast %swap3A_290 : i32 to index
        %swap3A_292 = arith.index_cast %mul3A_125 : i32 to index
        %swap3A_293 = tpu.vector_load %arg14[%swap3A_291, %swap3A_292] {strides = array<i32>} : memref<16x512xf32, #tpu.memory_space<vmem>>, vector<16xf32>,
        tpu.vector_store %arg14[%swap3A_291, %swap3A_292], %bitcast3A_289 {strides = array<i32>} : memref<16x512xf32, #tpu.memory_space<vmem>>, vector<16xf32>,
        %get3A_294 = arith.constant 7 : i32
        %get3A_295 = arith.index_cast %get3A_294 : i32 to index
        %get3A_296 = arith.index_cast %mul3A_125 : i32 to index
        %get3A_297 = tpu.vector_load %arg12[%get3A_295, %get3A_296] {strides = array<i32>} : memref<16x1024xf32, #tpu.memory_space<vmem>>, vector<16xf32>,
        %get3A_298 = arith.constant 7 : i32
        %get3A_299 = arith.index_cast %get3A_298 : i32 to index
        %get3A_300 = arith.index_cast %mul3A_125 : i32 to index
        %get3A_301 = tpu.vector_load %arg13[%get3A_299, %get3A_300] {strides = array<i32>} : memref<16x1024xf32, #tpu.memory_space<vmem>>, vector<16xf32>,
        %add3A_302 = arith.addf %get3A_297, %get3A_301 : vector<16xf32>
        %get3A_303 = arith.constant 7 : i32
        %get3A_304 = arith.index_cast %get3A_303 : i32 to index
        %get3A_305 = arith.index_cast %add3A_129 : i32 to index
        %get3A_306 = tpu.vector_load %arg12[%get3A_304, %get3A_305] {strides = array<i32>} : memref<16x1024xf32, #tpu.memory_space<vmem>>, vector<16xf32>,
        %get3A_307 = arith.constant 7 : i32
        %get3A_308 = arith.index_cast %get3A_307 : i32 to index
        %get3A_309 = arith.index_cast %add3A_129 : i32 to index
        %get3A_310 = tpu.vector_load %arg13[%get3A_308, %get3A_309] {strides = array<i32>} : memref<16x1024xf32, #tpu.memory_space<vmem>>, vector<16xf32>,
        %add3A_311 = arith.addf %get3A_306, %get3A_310 : vector<16xf32>
        %pack3A_312 = tpu.pack_subelements %add3A_302, %add3A_311 {pack_format = #tpu.pack_format<interleaved>, positions = array<i32: 0, 1>} : vector<16xf32>, vector<16xf32> -> vector<32xbf16>
        %bitcast3A_313 = vector.bitcast %pack3A_312 : vector<32xbf16> to vector<16xf32>
        %swap3A_314 = arith.constant 7 : i32
        %swap3A_315 = arith.index_cast %swap3A_314 : i32 to index
        %swap3A_316 = arith.index_cast %mul3A_125 : i32 to index
        %swap3A_317 = tpu.vector_load %arg14[%swap3A_315, %swap3A_316] {strides = array<i32>} : memref<16x512xf32, #tpu.memory_space<vmem>>, vector<16xf32>,
        tpu.vector_store %arg14[%swap3A_315, %swap3A_316], %bitcast3A_313 {strides = array<i32>} : memref<16x512xf32, #tpu.memory_space<vmem>>, vector<16xf32>,
        %get3A_318 = arith.constant 8 : i32
        %get3A_319 = arith.index_cast %get3A_318 : i32 to index
        %get3A_320 = arith.index_cast %mul3A_125 : i32 to index
        %get3A_321 = tpu.vector_load %arg12[%get3A_319, %get3A_320] {strides = array<i32>} : memref<16x1024xf32, #tpu.memory_space<vmem>>, vector<16xf32>,
        %get3A_322 = arith.constant 8 : i32
        %get3A_323 = arith.index_cast %get3A_322 : i32 to index
        %get3A_324 = arith.index_cast %mul3A_125 : i32 to index
        %get3A_325 = tpu.vector_load %arg13[%get3A_323, %get3A_324] {strides = array<i32>} : memref<16x1024xf32, #tpu.memory_space<vmem>>, vector<16xf32>,
        %add3A_326 = arith.addf %get3A_321, %get3A_325 : vector<16xf32>
        %get3A_327 = arith.constant 8 : i32
        %get3A_328 = arith.index_cast %get3A_327 : i32 to index
        %get3A_329 = arith.index_cast %add3A_129 : i32 to index
        %get3A_330 = tpu.vector_load %arg12[%get3A_328, %get3A_329] {strides = array<i32>} : memref<16x1024xf32, #tpu.memory_space<vmem>>, vector<16xf32>,
        %get3A_331 = arith.constant 8 : i32
        %get3A_332 = arith.index_cast %get3A_331 : i32 to index
        %get3A_333 = arith.index_cast %add3A_129 : i32 to index
        %get3A_334 = tpu.vector_load %arg13[%get3A_332, %get3A_333] {strides = array<i32>} : memref<16x1024xf32, #tpu.memory_space<vmem>>, vector<16xf32>,
        %add3A_335 = arith.addf %get3A_330, %get3A_334 : vector<16xf32>
        %pack3A_336 = tpu.pack_subelements %add3A_326, %add3A_335 {pack_format = #tpu.pack_format<interleaved>, positions = array<i32: 0, 1>} : vector<16xf32>, vector<16xf32> -> vector<32xbf16>
        %bitcast3A_337 = vector.bitcast %pack3A_336 : vector<32xbf16> to vector<16xf32>
        %swap3A_338 = arith.constant 8 : i32
        %swap3A_339 = arith.index_cast %swap3A_338 : i32 to index
        %swap3A_340 = arith.index_cast %mul3A_125 : i32 to index
        %swap3A_341 = tpu.vector_load %arg14[%swap3A_339, %swap3A_340] {strides = array<i32>} : memref<16x512xf32, #tpu.memory_space<vmem>>, vector<16xf32>,
        tpu.vector_store %arg14[%swap3A_339, %swap3A_340], %bitcast3A_337 {strides = array<i32>} : memref<16x512xf32, #tpu.memory_space<vmem>>, vector<16xf32>,
        %get3A_342 = arith.constant 9 : i32
        %get3A_343 = arith.index_cast %get3A_342 : i32 to index
        %get3A_344 = arith.index_cast %mul3A_125 : i32 to index
        %get3A_345 = tpu.vector_load %arg12[%get3A_343, %get3A_344] {strides = array<i32>} : memref<16x1024xf32, #tpu.memory_space<vmem>>, vector<16xf32>,
        %get3A_346 = arith.constant 9 : i32
        %get3A_347 = arith.index_cast %get3A_346 : i32 to index
        %get3A_348 = arith.index_cast %mul3A_125 : i32 to index
        %get3A_349 = tpu.vector_load %arg13[%get3A_347, %get3A_348] {strides = array<i32>} : memref<16x1024xf32, #tpu.memory_space<vmem>>, vector<16xf32>,
        %add3A_350 = arith.addf %get3A_345, %get3A_349 : vector<16xf32>
        %get3A_351 = arith.constant 9 : i32
        %get3A_352 = arith.index_cast %get3A_351 : i32 to index
        %get3A_353 = arith.index_cast %add3A_129 : i32 to index
        %get3A_354 = tpu.vector_load %arg12[%get3A_352, %get3A_353] {strides = array<i32>} : memref<16x1024xf32, #tpu.memory_space<vmem>>, vector<16xf32>,
        %get3A_355 = arith.constant 9 : i32
        %get3A_356 = arith.index_cast %get3A_355 : i32 to index
        %get3A_357 = arith.index_cast %add3A_129 : i32 to index
        %get3A_358 = tpu.vector_load %arg13[%get3A_356, %get3A_357] {strides = array<i32>} : memref<16x1024xf32, #tpu.memory_space<vmem>>, vector<16xf32>,
        %add3A_359 = arith.addf %get3A_354, %get3A_358 : vector<16xf32>
        %pack3A_360 = tpu.pack_subelements %add3A_350, %add3A_359 {pack_format = #tpu.pack_format<interleaved>, positions = array<i32: 0, 1>} : vector<16xf32>, vector<16xf32> -> vector<32xbf16>
        %bitcast3A_361 = vector.bitcast %pack3A_360 : vector<32xbf16> to vector<16xf32>
        %swap3A_362 = arith.constant 9 : i32
        %swap3A_363 = arith.index_cast %swap3A_362 : i32 to index
        %swap3A_364 = arith.index_cast %mul3A_125 : i32 to index
        %swap3A_365 = tpu.vector_load %arg14[%swap3A_363, %swap3A_364] {strides = array<i32>} : memref<16x512xf32, #tpu.memory_space<vmem>>, vector<16xf32>,
        tpu.vector_store %arg14[%swap3A_363, %swap3A_364], %bitcast3A_361 {strides = array<i32>} : memref<16x512xf32, #tpu.memory_space<vmem>>, vector<16xf32>,
        %get3A_366 = arith.constant 10 : i32
        %get3A_367 = arith.index_cast %get3A_366 : i32 to index
        %get3A_368 = arith.index_cast %mul3A_125 : i32 to index
        %get3A_369 = tpu.vector_load %arg12[%get3A_367, %get3A_368] {strides = array<i32>} : memref<16x1024xf32, #tpu.memory_space<vmem>>, vector<16xf32>,
        %get3A_370 = arith.constant 10 : i32
        %get3A_371 = arith.index_cast %get3A_370 : i32 to index
        %get3A_372 = arith.index_cast %mul3A_125 : i32 to index
        %get3A_373 = tpu.vector_load %arg13[%get3A_371, %get3A_372] {strides = array<i32>} : memref<16x1024xf32, #tpu.memory_space<vmem>>, vector<16xf32>,
        %add3A_374 = arith.addf %get3A_369, %get3A_373 : vector<16xf32>
        %get3A_375 = arith.constant 10 : i32
        %get3A_376 = arith.index_cast %get3A_375 : i32 to index
        %get3A_377 = arith.index_cast %add3A_129 : i32 to index
        %get3A_378 = tpu.vector_load %arg12[%get3A_376, %get3A_377] {strides = array<i32>} : memref<16x1024xf32, #tpu.memory_space<vmem>>, vector<16xf32>,
        %get3A_379 = arith.constant 10 : i32
        %get3A_380 = arith.index_cast %get3A_379 : i32 to index
        %get3A_381 = arith.index_cast %add3A_129 : i32 to index
        %get3A_382 = tpu.vector_load %arg13[%get3A_380, %get3A_381] {strides = array<i32>} : memref<16x1024xf32, #tpu.memory_space<vmem>>, vector<16xf32>,
        %add3A_383 = arith.addf %get3A_378, %get3A_382 : vector<16xf32>
        %pack3A_384 = tpu.pack_subelements %add3A_374, %add3A_383 {pack_format = #tpu.pack_format<interleaved>, positions = array<i32: 0, 1>} : vector<16xf32>, vector<16xf32> -> vector<32xbf16>
        %bitcast3A_385 = vector.bitcast %pack3A_384 : vector<32xbf16> to vector<16xf32>
        %swap3A_386 = arith.constant 10 : i32
        %swap3A_387 = arith.index_cast %swap3A_386 : i32 to index
        %swap3A_388 = arith.index_cast %mul3A_125 : i32 to index
        %swap3A_389 = tpu.vector_load %arg14[%swap3A_387, %swap3A_388] {strides = array<i32>} : memref<16x512xf32, #tpu.memory_space<vmem>>, vector<16xf32>,
        tpu.vector_store %arg14[%swap3A_387, %swap3A_388], %bitcast3A_385 {strides = array<i32>} : memref<16x512xf32, #tpu.memory_space<vmem>>, vector<16xf32>,
        %get3A_390 = arith.constant 11 : i32
        %get3A_391 = arith.index_cast %get3A_390 : i32 to index
        %get3A_392 = arith.index_cast %mul3A_125 : i32 to index
        %get3A_393 = tpu.vector_load %arg12[%get3A_391, %get3A_392] {strides = array<i32>} : memref<16x1024xf32, #tpu.memory_space<vmem>>, vector<16xf32>,
        %get3A_394 = arith.constant 11 : i32
        %get3A_395 = arith.index_cast %get3A_394 : i32 to index
        %get3A_396 = arith.index_cast %mul3A_125 : i32 to index
        %get3A_397 = tpu.vector_load %arg13[%get3A_395, %get3A_396] {strides = array<i32>} : memref<16x1024xf32, #tpu.memory_space<vmem>>, vector<16xf32>,
        %add3A_398 = arith.addf %get3A_393, %get3A_397 : vector<16xf32>
        %get3A_399 = arith.constant 11 : i32
        %get3A_400 = arith.index_cast %get3A_399 : i32 to index
        %get3A_401 = arith.index_cast %add3A_129 : i32 to index
        %get3A_402 = tpu.vector_load %arg12[%get3A_400, %get3A_401] {strides = array<i32>} : memref<16x1024xf32, #tpu.memory_space<vmem>>, vector<16xf32>,
        %get3A_403 = arith.constant 11 : i32
        %get3A_404 = arith.index_cast %get3A_403 : i32 to index
        %get3A_405 = arith.index_cast %add3A_129 : i32 to index
        %get3A_406 = tpu.vector_load %arg13[%get3A_404, %get3A_405] {strides = array<i32>} : memref<16x1024xf32, #tpu.memory_space<vmem>>, vector<16xf32>,
        %add3A_407 = arith.addf %get3A_402, %get3A_406 : vector<16xf32>
        %pack3A_408 = tpu.pack_subelements %add3A_398, %add3A_407 {pack_format = #tpu.pack_format<interleaved>, positions = array<i32: 0, 1>} : vector<16xf32>, vector<16xf32> -> vector<32xbf16>
        %bitcast3A_409 = vector.bitcast %pack3A_408 : vector<32xbf16> to vector<16xf32>
        %swap3A_410 = arith.constant 11 : i32
        %swap3A_411 = arith.index_cast %swap3A_410 : i32 to index
        %swap3A_412 = arith.index_cast %mul3A_125 : i32 to index
        %swap3A_413 = tpu.vector_load %arg14[%swap3A_411, %swap3A_412] {strides = array<i32>} : memref<16x512xf32, #tpu.memory_space<vmem>>, vector<16xf32>,
        tpu.vector_store %arg14[%swap3A_411, %swap3A_412], %bitcast3A_409 {strides = array<i32>} : memref<16x512xf32, #tpu.memory_space<vmem>>, vector<16xf32>,
        %get3A_414 = arith.constant 12 : i32
        %get3A_415 = arith.index_cast %get3A_414 : i32 to index
        %get3A_416 = arith.index_cast %mul3A_125 : i32 to index
        %get3A_417 = tpu.vector_load %arg12[%get3A_415, %get3A_416] {strides = array<i32>} : memref<16x1024xf32, #tpu.memory_space<vmem>>, vector<16xf32>,
        %get3A_418 = arith.constant 12 : i32
        %get3A_419 = arith.index_cast %get3A_418 : i32 to index
        %get3A_420 = arith.index_cast %mul3A_125 : i32 to index
        %get3A_421 = tpu.vector_load %arg13[%get3A_419, %get3A_420] {strides = array<i32>} : memref<16x1024xf32, #tpu.memory_space<vmem>>, vector<16xf32>,
        %add3A_422 = arith.addf %get3A_417, %get3A_421 : vector<16xf32>
        %get3A_423 = arith.constant 12 : i32
        %get3A_424 = arith.index_cast %get3A_423 : i32 to index
        %get3A_425 = arith.index_cast %add3A_129 : i32 to index
        %get3A_426 = tpu.vector_load %arg12[%get3A_424, %get3A_425] {strides = array<i32>} : memref<16x1024xf32, #tpu.memory_space<vmem>>, vector<16xf32>,
        %get3A_427 = arith.constant 12 : i32
        %get3A_428 = arith.index_cast %get3A_427 : i32 to index
        %get3A_429 = arith.index_cast %add3A_129 : i32 to index
        %get3A_430 = tpu.vector_load %arg13[%get3A_428, %get3A_429] {strides = array<i32>} : memref<16x1024xf32, #tpu.memory_space<vmem>>, vector<16xf32>,
        %add3A_431 = arith.addf %get3A_426, %get3A_430 : vector<16xf32>
        %pack3A_432 = tpu.pack_subelements %add3A_422, %add3A_431 {pack_format = #tpu.pack_format<interleaved>, positions = array<i32: 0, 1>} : vector<16xf32>, vector<16xf32> -> vector<32xbf16>
        %bitcast3A_433 = vector.bitcast %pack3A_432 : vector<32xbf16> to vector<16xf32>
        %swap3A_434 = arith.constant 12 : i32
        %swap3A_435 = arith.index_cast %swap3A_434 : i32 to index
        %swap3A_436 = arith.index_cast %mul3A_125 : i32 to index
        %swap3A_437 = tpu.vector_load %arg14[%swap3A_435, %swap3A_436] {strides = array<i32>} : memref<16x512xf32, #tpu.memory_space<vmem>>, vector<16xf32>,
        tpu.vector_store %arg14[%swap3A_435, %swap3A_436], %bitcast3A_433 {strides = array<i32>} : memref<16x512xf32, #tpu.memory_space<vmem>>, vector<16xf32>,
        %get3A_438 = arith.constant 13 : i32
        %get3A_439 = arith.index_cast %get3A_438 : i32 to index
        %get3A_440 = arith.index_cast %mul3A_125 : i32 to index
        %get3A_441 = tpu.vector_load %arg12[%get3A_439, %get3A_440] {strides = array<i32>} : memref<16x1024xf32, #tpu.memory_space<vmem>>, vector<16xf32>,
        %get3A_442 = arith.constant 13 : i32
        %get3A_443 = arith.index_cast %get3A_442 : i32 to index
        %get3A_444 = arith.index_cast %mul3A_125 : i32 to index
        %get3A_445 = tpu.vector_load %arg13[%get3A_443, %get3A_444] {strides = array<i32>} : memref<16x1024xf32, #tpu.memory_space<vmem>>, vector<16xf32>,
        %add3A_446 = arith.addf %get3A_441, %get3A_445 : vector<16xf32>
        %get3A_447 = arith.constant 13 : i32
        %get3A_448 = arith.index_cast %get3A_447 : i32 to index
        %get3A_449 = arith.index_cast %add3A_129 : i32 to index
        %get3A_450 = tpu.vector_load %arg12[%get3A_448, %get3A_449] {strides = array<i32>} : memref<16x1024xf32, #tpu.memory_space<vmem>>, vector<16xf32>,
        %get3A_451 = arith.constant 13 : i32
        %get3A_452 = arith.index_cast %get3A_451 : i32 to index
        %get3A_453 = arith.index_cast %add3A_129 : i32 to index
        %get3A_454 = tpu.vector_load %arg13[%get3A_452, %get3A_453] {strides = array<i32>} : memref<16x1024xf32, #tpu.memory_space<vmem>>, vector<16xf32>,
        %add3A_455 = arith.addf %get3A_450, %get3A_454 : vector<16xf32>
        %pack3A_456 = tpu.pack_subelements %add3A_446, %add3A_455 {pack_format = #tpu.pack_format<interleaved>, positions = array<i32: 0, 1>} : vector<16xf32>, vector<16xf32> -> vector<32xbf16>
        %bitcast3A_457 = vector.bitcast %pack3A_456 : vector<32xbf16> to vector<16xf32>
        %swap3A_458 = arith.constant 13 : i32
        %swap3A_459 = arith.index_cast %swap3A_458 : i32 to index
        %swap3A_460 = arith.index_cast %mul3A_125 : i32 to index
        %swap3A_461 = tpu.vector_load %arg14[%swap3A_459, %swap3A_460] {strides = array<i32>} : memref<16x512xf32, #tpu.memory_space<vmem>>, vector<16xf32>,
        tpu.vector_store %arg14[%swap3A_459, %swap3A_460], %bitcast3A_457 {strides = array<i32>} : memref<16x512xf32, #tpu.memory_space<vmem>>, vector<16xf32>,
        %get3A_462 = arith.constant 14 : i32
        %get3A_463 = arith.index_cast %get3A_462 : i32 to index
        %get3A_464 = arith.index_cast %mul3A_125 : i32 to index
        %get3A_465 = tpu.vector_load %arg12[%get3A_463, %get3A_464] {strides = array<i32>} : memref<16x1024xf32, #tpu.memory_space<vmem>>, vector<16xf32>,
        %get3A_466 = arith.constant 14 : i32
        %get3A_467 = arith.index_cast %get3A_466 : i32 to index
        %get3A_468 = arith.index_cast %mul3A_125 : i32 to index
        %get3A_469 = tpu.vector_load %arg13[%get3A_467, %get3A_468] {strides = array<i32>} : memref<16x1024xf32, #tpu.memory_space<vmem>>, vector<16xf32>,
        %add3A_470 = arith.addf %get3A_465, %get3A_469 : vector<16xf32>
        %get3A_471 = arith.constant 14 : i32
        %get3A_472 = arith.index_cast %get3A_471 : i32 to index
        %get3A_473 = arith.index_cast %add3A_129 : i32 to index
        %get3A_474 = tpu.vector_load %arg12[%get3A_472, %get3A_473] {strides = array<i32>} : memref<16x1024xf32, #tpu.memory_space<vmem>>, vector<16xf32>,
        %get3A_475 = arith.constant 14 : i32
        %get3A_476 = arith.index_cast %get3A_475 : i32 to index
        %get3A_477 = arith.index_cast %add3A_129 : i32 to index
        %get3A_478 = tpu.vector_load %arg13[%get3A_476, %get3A_477] {strides = array<i32>} : memref<16x1024xf32, #tpu.memory_space<vmem>>, vector<16xf32>,
        %add3A_479 = arith.addf %get3A_474, %get3A_478 : vector<16xf32>
        %pack3A_480 = tpu.pack_subelements %add3A_470, %add3A_479 {pack_format = #tpu.pack_format<interleaved>, positions = array<i32: 0, 1>} : vector<16xf32>, vector<16xf32> -> vector<32xbf16>
        %bitcast3A_481 = vector.bitcast %pack3A_480 : vector<32xbf16> to vector<16xf32>
        %swap3A_482 = arith.constant 14 : i32
        %swap3A_483 = arith.index_cast %swap3A_482 : i32 to index
        %swap3A_484 = arith.index_cast %mul3A_125 : i32 to index
        %swap3A_485 = tpu.vector_load %arg14[%swap3A_483, %swap3A_484] {strides = array<i32>} : memref<16x512xf32, #tpu.memory_space<vmem>>, vector<16xf32>,
        tpu.vector_store %arg14[%swap3A_483, %swap3A_484], %bitcast3A_481 {strides = array<i32>} : memref<16x512xf32, #tpu.memory_space<vmem>>, vector<16xf32>,
        %get3A_486 = arith.constant 15 : i32
        %get3A_487 = arith.index_cast %get3A_486 : i32 to index
        %get3A_488 = arith.index_cast %mul3A_125 : i32 to index
        %get3A_489 = tpu.vector_load %arg12[%get3A_487, %get3A_488] {strides = array<i32>} : memref<16x1024xf32, #tpu.memory_space<vmem>>, vector<16xf32>,
        %get3A_490 = arith.constant 15 : i32
        %get3A_491 = arith.index_cast %get3A_490 : i32 to index
        %get3A_492 = arith.index_cast %mul3A_125 : i32 to index
        %get3A_493 = tpu.vector_load %arg13[%get3A_491, %get3A_492] {strides = array<i32>} : memref<16x1024xf32, #tpu.memory_space<vmem>>, vector<16xf32>,
        %add3A_494 = arith.addf %get3A_489, %get3A_493 : vector<16xf32>
        %get3A_495 = arith.constant 15 : i32
        %get3A_496 = arith.index_cast %get3A_495 : i32 to index
        %get3A_497 = arith.index_cast %add3A_129 : i32 to index
        %get3A_498 = tpu.vector_load %arg12[%get3A_496, %get3A_497] {strides = array<i32>} : memref<16x1024xf32, #tpu.memory_space<vmem>>, vector<16xf32>,
        %get3A_499 = arith.constant 15 : i32
        %get3A_500 = arith.index_cast %get3A_499 : i32 to index
        %get3A_501 = arith.index_cast %add3A_129 : i32 to index
        %get3A_502 = tpu.vector_load %arg13[%get3A_500, %get3A_501] {strides = array<i32>} : memref<16x1024xf32, #tpu.memory_space<vmem>>, vector<16xf32>,
        %add3A_503 = arith.addf %get3A_498, %get3A_502 : vector<16xf32>
        %pack3A_504 = tpu.pack_subelements %add3A_494, %add3A_503 {pack_format = #tpu.pack_format<interleaved>, positions = array<i32: 0, 1>} : vector<16xf32>, vector<16xf32> -> vector<32xbf16>
        %bitcast3A_505 = vector.bitcast %pack3A_504 : vector<32xbf16> to vector<16xf32>
        %swap3A_506 = arith.constant 15 : i32
        %swap3A_507 = arith.index_cast %swap3A_506 : i32 to index
        %swap3A_508 = arith.index_cast %mul3A_125 : i32 to index
        %swap3A_509 = tpu.vector_load %arg14[%swap3A_507, %swap3A_508] {strides = array<i32>} : memref<16x512xf32, #tpu.memory_space<vmem>>, vector<16xf32>,
        tpu.vector_store %arg14[%swap3A_507, %swap3A_508], %bitcast3A_505 {strides = array<i32>} : memref<16x512xf32, #tpu.memory_space<vmem>>, vector<16xf32>,
        %scan3A_510 = arith.constant 0 : i32
        scf.yield %scan3A_510 : i32
      }
      %scan3A_106 = arith.constant 32 : i32
      %mul3A_107 = arith.constant 16 : i32
      %mul3A_108 = arith.muli %add3A_82, %mul3A_107 : i32
      %add3A_109 = arith.addi %mul3A_2, %mul3A_108 : i32
      %dma_start3A_110 = arith.constant 0 : i32
      %dma_start3A_111 = tpu.memref_slice %arg6[%add3A_109, %dma_start3A_110] : memref<8192x512xf32, #tpu.memory_space<hbm>> -> memref<16x512xf32, #tpu.memory_space<hbm>>
      %dma_start3A_112 = arith.constant 0 : i32
      %dma_start3A_113 = tpu.memref_slice %arg6[%add3A_109, %dma_start3A_112] : memref<8192x512xf32, #tpu.memory_space<hbm>> -> memref<16x512xf32, #tpu.memory_space<hbm>>
      tpu.enqueue_dma source(%arg14 : memref<16x512xf32, #tpu.memory_space<vmem>>) target(%dma_start3A_113 : memref<16x512xf32, #tpu.memory_space<hbm>>) target_semaphore(%arg20 : memref<!tpu.dma_semaphore, #tpu.memory_space<semaphore_mem>>)
      %add3A_114 = arith.constant 2 : i32
      %add3A_115 = arith.addi %add3A_82, %add3A_114 : i32
      %lt3A_116 = arith.constant 16 : i32
      %lt3A_117 = arith.cmpi slt, %add3A_115, %lt3A_116 : i32
      %convert_element_type3A_118 = arith.extui %lt3A_117 : i1 to i32
      %cond3A_119 = arith.constant 0 : i32
      %cond3A_120 = arith.cmpi ne, %convert_element_type3A_118, %cond3A_119 : i32
      scf.if %cond3A_120 {
        %add3A_122 = arith.constant 2 : i32
        %add3A_123 = arith.addi %add3A_82, %add3A_122 : i32
        %mul3A_124 = arith.constant 16 : i32
        %mul3A_125 = arith.muli %add3A_123, %mul3A_124 : i32
        %dma_start3A_126 = tpu.memref_slice %arg7[%mul3A_125] : memref<256xi32, #tpu.memory_space<vmem>> -> memref<16xi32, #tpu.memory_space<vmem>>
        %dma_start3A_127 = arith.constant 0 : i32
        %dma_start3A_128 = arith.constant 0 : i32
        %dma_start3A_129 = tpu.memref_slice %arg4[%dma_start3A_127, %dma_start3A_128] : memref<30522x1024xf32, #tpu.memory_space<hbm>> -> memref<30522x1024xf32, #tpu.memory_space<hbm>>
        tpu.enqueue_indirect_dma source(%dma_start3A_129 : memref<30522x1024xf32, #tpu.memory_space<hbm>>) target(%arg12 : memref<16x1024xf32, #tpu.memory_space<vmem>>) offsets(%dma_start3A_126 : memref<16xi32, #tpu.memory_space<vmem>>) semaphore(%arg18 : memref<!tpu.dma_semaphore, #tpu.memory_space<semaphore_mem>>)
        %mul3A_130 = arith.constant 16 : i32
        %mul3A_131 = arith.muli %add3A_123, %mul3A_130 : i32
        %dma_start3A_132 = tpu.memref_slice %arg8[%mul3A_131] : memref<256xi32, #tpu.memory_space<vmem>> -> memref<16xi32, #tpu.memory_space<vmem>>
        %dma_start3A_133 = arith.constant 0 : i32
        %dma_start3A_134 = arith.constant 0 : i32
        %dma_start3A_135 = tpu.memref_slice %arg5[%dma_start3A_133, %dma_start3A_134] : memref<2048x1024xf32, #tpu.memory_space<hbm>> -> memref<2048x1024xf32, #tpu.memory_space<hbm>>
        tpu.enqueue_indirect_dma source(%dma_start3A_135 : memref<2048x1024xf32, #tpu.memory_space<hbm>>) target(%arg13 : memref<16x1024xf32, #tpu.memory_space<vmem>>) offsets(%dma_start3A_132 : memref<16xi32, #tpu.memory_space<vmem>>) semaphore(%arg19 : memref<!tpu.dma_semaphore, #tpu.memory_space<semaphore_mem>>)
      } else {
      }
      %scan3A_121 = arith.constant 0 : i32
      scf.yield %scan3A_121 : i32
    }
    %scan3A_27 = arith.constant 8 : i32
    %dma_wait3A = arith.constant 0 : i32
    %dma_wait3A_28 = arith.constant 0 : i32
    %dma_wait3A_29 = tpu.memref_slice %arg6[%dma_wait3A, %dma_wait3A_28] : memref<8192x512xf32, #tpu.memory_space<hbm>> -> memref<16x512xf32, #tpu.memory_space<hbm>>
    %dma_wait3A_30 = arith.constant 0 : i32
    %dma_wait3A_31 = arith.constant 0 : i32
    %dma_wait3A_32 = tpu.memref_slice %arg6[%dma_wait3A_30, %dma_wait3A_31] : memref<8192x512xf32, #tpu.memory_space<hbm>> -> memref<16x512xf32, #tpu.memory_space<hbm>>
    tpu.wait_dma2 semaphore(%arg17 : memref<!tpu.dma_semaphore, #tpu.memory_space<semaphore_mem>>) src(%arg11 : memref<16x512xf32, #tpu.memory_space<vmem>>) dst(%dma_wait3A_32 : memref<16x512xf32, #tpu.memory_space<hbm>>)
    %dma_wait3A_33 = arith.constant 0 : i32
    %dma_wait3A_34 = arith.constant 0 : i32
    %dma_wait3A_35 = tpu.memref_slice %arg6[%dma_wait3A_33, %dma_wait3A_34] : memref<8192x512xf32, #tpu.memory_space<hbm>> -> memref<16x512xf32, #tpu.memory_space<hbm>>
    %dma_wait3A_36 = arith.constant 0 : i32
    %dma_wait3A_37 = arith.constant 0 : i32
    %dma_wait3A_38 = tpu.memref_slice %arg6[%dma_wait3A_36, %dma_wait3A_37] : memref<8192x512xf32, #tpu.memory_space<hbm>> -> memref<16x512xf32, #tpu.memory_space<hbm>>
    tpu.wait_dma2 semaphore(%arg20 : memref<!tpu.dma_semaphore, #tpu.memory_space<semaphore_mem>>) src(%arg14 : memref<16x512xf32, #tpu.memory_space<vmem>>) dst(%dma_wait3A_38 : memref<16x512xf32, #tpu.memory_space<hbm>>)
    return
  }
}

module attributes {stable_mosaic.version = 14 : i64} {
  func.func @_ln_body(%arg0: i32, %arg1: memref<1024x512xf32, #tpu.memory_space<vmem>>, %arg2: memref<1x1x1024xi32, #tpu.memory_space<vmem>>, %arg3: memref<2x1024xf32, #tpu.memory_space<vmem>>, %arg4: memref<1x1024xf32, #tpu.memory_space<vmem>>, %arg5: memref<1x1024xf32, #tpu.memory_space<vmem>>, %arg6: memref<1024x1024xf32, #tpu.memory_space<vmem>>) attributes {dimension_semantics = [#tpu.dimension_semantics<arbitrary>], iteration_bounds = array<i64: 8>, scalar_prefetch = 0 : i64, scratch_operands = 0 : i64, tpu.core_type = #tpu.core_type<tc>, window_params = [{transform_indices = @transform_0, window_bounds = array<i64: 1024, 512>}, {transform_indices = @transform_1, window_bounds = array<i64: 1, 1, 1024>}, {pipeline_mode = #tpu.pipeline_mode<synchronous>, transform_indices = @transform_2, window_bounds = array<i64: 2, 1024>}, {pipeline_mode = #tpu.pipeline_mode<synchronous>, transform_indices = @transform_3, window_bounds = array<i64: 1, 1024>}, {pipeline_mode = #tpu.pipeline_mode<synchronous>, transform_indices = @transform_4, window_bounds = array<i64: 1, 1024>}, {transform_indices = @transform_5, window_bounds = array<i64: 1024, 1024>}]} {
    %get3A = arith.constant 0 : index
    %get3A_0 = arith.constant 0 : index
    %get3A_1 = arith.constant 0 : index
    %get3A_2 = vector.load %arg2[%get3A, %get3A_0, %get3A_1] : memref<1x1x1024xi32, #tpu.memory_space<vmem>>, vector<1x1x1024xi32>
    %get3A_3 = vector.shape_cast %get3A_2 : vector<1x1x1024xi32> to vector<1024xi32>
    %convert_element_type3A = arith.sitofp %get3A_3 : vector<1024xi32> to vector<1024xf32>
    %broadcast_in_dim3A = vector.shape_cast %convert_element_type3A : vector<1024xf32> to vector<1024x1xf32>
    %get3A_4 = arith.constant 0 : index
    %get3A_5 = arith.constant 0 : index
    %get3A_6 = vector.load %arg3[%get3A_4, %get3A_5] : memref<2x1024xf32, #tpu.memory_space<vmem>>, vector<1x1024xf32>
    %get3A_7 = vector.shape_cast %get3A_6 : vector<1x1024xf32> to vector<1024xf32>
    %broadcast_in_dim3A_8 = vector.shape_cast %get3A_7 : vector<1024xf32> to vector<1x1024xf32>
    %get3A_9 = arith.constant 1 : index
    %get3A_10 = arith.constant 0 : index
    %get3A_11 = vector.load %arg3[%get3A_9, %get3A_10] : memref<2x1024xf32, #tpu.memory_space<vmem>>, vector<1x1024xf32>
    %get3A_12 = vector.shape_cast %get3A_11 : vector<1x1024xf32> to vector<1024xf32>
    %broadcast_in_dim3A_13 = vector.shape_cast %get3A_12 : vector<1024xf32> to vector<1x1024xf32>
    %get3A_14 = arith.constant 0 : index
    %get3A_15 = arith.constant 0 : index
    %get3A_16 = vector.load %arg1[%get3A_14, %get3A_15] : memref<1024x512xf32, #tpu.memory_space<vmem>>, vector<1024x512xf32>
    %bitcast_convert_type3A = tpu.bitcast %get3A_16 : vector<1024x512xf32> -> vector<1024x512xi32>
    %shift_left3A = arith.constant 16 : i32
    %shift_left3A_17 = vector.broadcast %shift_left3A : i32 to vector<1024x512xi32>
    %shift_left3A_18 = arith.shli %bitcast_convert_type3A, %shift_left3A_17 : vector<1024x512xi32>
    %bitcast_convert_type3A_19 = tpu.bitcast %shift_left3A_18 : vector<1024x512xi32> -> vector<1024x512xf32>
    %and3A = arith.constant -65536 : i32
    %and3A_20 = vector.broadcast %and3A : i32 to vector<1024x512xi32>
    %and3A_21 = arith.andi %bitcast_convert_type3A, %and3A_20 : vector<1024x512xi32>
    %bitcast_convert_type3A_22 = tpu.bitcast %and3A_21 : vector<1024x512xi32> -> vector<1024x512xf32>
    %concatenate3A = tpu.concatenate %bitcast_convert_type3A_19, %bitcast_convert_type3A_22 in 1 : vector<1024x512xf32>, vector<1024x512xf32> -> vector<1024x1024xf32>
    %add3A = vector.broadcast %broadcast_in_dim3A_8 : vector<1x1024xf32> to vector<1024x1024xf32>
    %add3A_23 = arith.addf %concatenate3A, %add3A : vector<1024x1024xf32>
    %sub3A = arith.subf %broadcast_in_dim3A_13, %broadcast_in_dim3A_8 : vector<1x1024xf32>
    %mul3A = vector.broadcast %broadcast_in_dim3A : vector<1024x1xf32> to vector<1024x1024xf32>
    %mul3A_24 = vector.broadcast %sub3A : vector<1x1024xf32> to vector<1024x1024xf32>
    %mul3A_25 = arith.mulf %mul3A, %mul3A_24 : vector<1024x1024xf32>
    %add3A_26 = arith.addf %add3A_23, %mul3A_25 : vector<1024x1024xf32>
    %reduce_sum3A = arith.constant dense<0.000000e+00> : vector<1024xf32>
    %reduce_sum3A_27 = vector.multi_reduction <add>, %add3A_26, %reduce_sum3A [1] : vector<1024x1024xf32> to vector<1024xf32>
    %broadcast_in_dim3A_28 = vector.shape_cast %reduce_sum3A_27 : vector<1024xf32> to vector<1024x1xf32>
    %div3A = arith.constant 1.024000e+03 : f32
    %div3A_29 = vector.broadcast %div3A : f32 to vector<1024x1xf32>
    %div3A_30 = arith.divf %broadcast_in_dim3A_28, %div3A_29 : vector<1024x1xf32>
    %sub3A_31 = vector.broadcast %div3A_30 : vector<1024x1xf32> to vector<1024x1024xf32>
    %sub3A_32 = arith.subf %add3A_26, %sub3A_31 : vector<1024x1024xf32>
    %mul3A_33 = arith.mulf %sub3A_32, %sub3A_32 : vector<1024x1024xf32>
    %reduce_sum3A_34 = arith.constant dense<0.000000e+00> : vector<1024xf32>
    %reduce_sum3A_35 = vector.multi_reduction <add>, %mul3A_33, %reduce_sum3A_34 [1] : vector<1024x1024xf32> to vector<1024xf32>
    %broadcast_in_dim3A_36 = vector.shape_cast %reduce_sum3A_35 : vector<1024xf32> to vector<1024x1xf32>
    %div3A_37 = arith.constant 1.024000e+03 : f32
    %div3A_38 = vector.broadcast %div3A_37 : f32 to vector<1024x1xf32>
    %div3A_39 = arith.divf %broadcast_in_dim3A_36, %div3A_38 : vector<1024x1xf32>
    %add3A_40 = arith.constant 9.99999996E-13 : f32
    %add3A_41 = vector.broadcast %add3A_40 : f32 to vector<1024x1xf32>
    %add3A_42 = arith.addf %div3A_39, %add3A_41 : vector<1024x1xf32>
    %rsqrt3A = math.rsqrt %add3A_42 : vector<1024x1xf32>
    %mul3A_43 = vector.broadcast %rsqrt3A : vector<1024x1xf32> to vector<1024x1024xf32>
    %mul3A_44 = arith.mulf %sub3A_32, %mul3A_43 : vector<1024x1024xf32>
    %get3A_45 = arith.constant 0 : index
    %get3A_46 = arith.constant 0 : index
    %get3A_47 = vector.load %arg4[%get3A_45, %get3A_46] : memref<1x1024xf32, #tpu.memory_space<vmem>>, vector<1x1024xf32>
    %mul3A_48 = vector.broadcast %get3A_47 : vector<1x1024xf32> to vector<1024x1024xf32>
    %mul3A_49 = arith.mulf %mul3A_44, %mul3A_48 : vector<1024x1024xf32>
    %get3A_50 = arith.constant 0 : index
    %get3A_51 = arith.constant 0 : index
    %get3A_52 = vector.load %arg5[%get3A_50, %get3A_51] : memref<1x1024xf32, #tpu.memory_space<vmem>>, vector<1x1024xf32>
    %add3A_53 = vector.broadcast %get3A_52 : vector<1x1024xf32> to vector<1024x1024xf32>
    %add3A_54 = arith.addf %mul3A_49, %add3A_53 : vector<1024x1024xf32>
    %swap3A = arith.constant 0 : index
    %swap3A_55 = arith.constant 0 : index
    %swap3A_56 = vector.load %arg6[%swap3A, %swap3A_55] : memref<1024x1024xf32, #tpu.memory_space<vmem>>, vector<1024x1024xf32>
    tpu.vector_store %arg6[%swap3A, %swap3A_55], %add3A_54 {strides = array<i32>} : memref<1024x1024xf32, #tpu.memory_space<vmem>>, vector<1024x1024xf32>,
    return
  }
  func.func @transform_0(%arg0: i32) -> (i32, i32) {
    %c0_i32 = arith.constant 0 : i32
    %c0_i32_0 = arith.constant 0 : i32
    return %arg0, %c0_i32 : i32, i32
  }
  func.func @transform_1(%arg0: i32) -> (i32, i32, i32) {
    %c0_i32 = arith.constant 0 : i32
    %c0_i32_0 = arith.constant 0 : i32
    %c0_i32_1 = arith.constant 0 : i32
    return %arg0, %c0_i32, %c0_i32_0 : i32, i32, i32
  }
  func.func @transform_2(%arg0: i32) -> (i32, i32) {
    %c0_i32 = arith.constant 0 : i32
    %c0_i32_0 = arith.constant 0 : i32
    %c0_i32_1 = arith.constant 0 : i32
    return %c0_i32, %c0_i32_0 : i32, i32
  }
  func.func @transform_3(%arg0: i32) -> (i32, i32) {
    %c0_i32 = arith.constant 0 : i32
    %c0_i32_0 = arith.constant 0 : i32
    %c0_i32_1 = arith.constant 0 : i32
    return %c0_i32, %c0_i32_0 : i32, i32
  }
  func.func @transform_4(%arg0: i32) -> (i32, i32) {
    %c0_i32 = arith.constant 0 : i32
    %c0_i32_0 = arith.constant 0 : i32
    %c0_i32_1 = arith.constant 0 : i32
    return %c0_i32, %c0_i32_0 : i32, i32
  }
  func.func @transform_5(%arg0: i32) -> (i32, i32) {
    %c0_i32 = arith.constant 0 : i32
    %c0_i32_0 = arith.constant 0 : i32
    return %arg0, %c0_i32 : i32, i32
  }
}

</mosaic_0001>

<sc_bundles>
// kernel: kernel.4.cloned.1.call-start
scs
__scs_entry_jumppad:
0x0: {  	(pc) =	sbr.rel $0x88, $3  }
0x1: {  	(tag) =	ssettag $0x0;
	lr =	simm.s32 $0x1  }
0x2: {  	[smem:$0x3F99] =	sst lr;
	_ =	strace $0xD0000000  }
0x3: {  	_ = 	snop  }
0x4: {  	_ = 	snop  }
0x5: {  	_ = 	snop  }
0x6: {  	_ = 	snop  }
0x7: {  	_ = 	snop  }
__scs_overlays_trampoline_lowered:
0x8: {  	[smem:$0x3FA8] =	sst s0  }
0x9: {  	[smem:$0x3FA9] =	sst s1  }
0xa: {  	[smem:$0x3FAA] =	sst s2  }
0xb: {  	[smem:$0x3FAB] =	sst s3  }
0xc: {  	[smem:$0x3FAC] =	sst s4  }
0xd: {  	[smem:$0x3FAD] =	sst s5  }
0xe: {  	[smem:$0x3FAE] =	sst s6  }
0xf: {  	[smem:$0x3FAF] =	sst s7  }
0x10: {  	[smem:$0x3FB0] =	sst s8  }
0x11: {  	[smem:$0x3FB1] =	sst s9;
	s0 =	simm.s32 @!p0 $0x0  }
0x12: {  	s1 =	sld [smem:$0x3F97];
	s0 =	simm.s32 @p0 $0x1  }
0x13: {  	[smem:$0x3FB2] =	sst s0;
	s0 =	simm.s32 @!p1 $0x0  }
0x14: {  	s2 =	sld [smem:$0x3F96];
	s0 =	simm.s32 @p1 $0x1  }
0x15: {  	[smem:$0x3FB3] =	sst s0;
	s0 =	simm.s32 @!p2 $0x0  }
0x16: {  	s3 =	sld [smem:$0x3FDB];
	s0 =	simm.s32 @p2 $0x1  }
0x17: {  	s4 =	simm.s32 $0x1BF5;
	[smem:$0x3FB5] =	sst s0  }
0x18: {  	s0 =	sld [smem:$0x3F98];
	_ =	swait.ge [sflag:s4], $0x0  }
0x19: {  	s7 =	sld [smem:$0x3F99]  }
0x1a: {  	s8 =	sadd.s32 $0xFFFFE003, lr  }
0x1b: {  	s9 =	sadd.s32 $0xFFFFFEF7, lr;
	s5 =	simm.s32 $0xFFFFFFFF;
	p2 =	slt.u32 s8, $0xFFFFF086  }
0x1c: {  	p1 =	slt.u32 s9, $0xF7A;
	s5 =	simm.s32 @!p2 $0x0  }
0x1d: {  	s5 =	simm.s32 @p1 $0x1;
	p0 =	seq.s32 s7, s2  }
0x1e: {  	s7 =	smul.u32 @!p0 $0xF7A, s2;
	p2 =	seq.s32 @!p0 s5, $0x0  }
0x1f: {  	s9 =	smul.u32 $0xF7A, s1;
	s8 =	simm.s32 @!p0 $0x1BF5;
	p2 =	por !p2, p0  }
0x20: {  	[sflag:s8] =	ssyncset.s32 @!p0 $0xFFFFF086;
	s6 =	sadd.s32 @!p0 s3, s7;
	s7 =	simm.s32 @!p0 $0x108  }
0x21: {  	s3 =	sadd.s32 s3, s9;
	s6 =	sadd.s32 @!p0 $0x88, s6;
	s7 =	simm.s32 @p2 $0x1082  }
0x22: {  	[simem:s7], [sflag:s8] =	dma.local @!p0 [hbm:s6], $0xF7A  }
0x23: {  	s9 =	sor.u32 $0xD0000000, s2;
	s6 =	simm.s32 $0x108;
	_ =	swait.ge @!p0 [sflag:s8], $0x0  }
0x24: {  	s3 =	sadd.s32 $0x88, s3;
	s6 =	simm.s32 @!p1 $0x1082;
	[sflag:s4] =	ssyncset.s32 $0xFFFFF086  }
0x25: {  	[simem:s6], [sflag:s4] =	dma.local [hbm:s3], $0xF7A  }
0x26: {  	[smem:$0x3F99] =	sst s1;
	(tag) =	ssettag s2;
	_ =	strace s9  }
0x27: {  	s1 =	sld [smem:$0x3FA9]  }
0x28: {  	s2 =	sld [smem:$0x3FAA]  }
0x29: {  	s4 =	sld [smem:$0x3FAC]  }
0x2a: {  	p0 =	seq.s32 s5, $0x0;
	s5 =	sld [smem:$0x3FAD]  }
0x2b: {  	s6 =	sld [smem:$0x3FAE]  }
0x2c: {  	s7 =	sld [smem:$0x3FAF]  }
0x2d: {  	s3 =	simm.s32 $0x108;
	s8 =	sld [smem:$0x3FB0]  }
0x2e: {  	s3 =	simm.s32 @!p0 $0x1082;
	s9 =	sld [smem:$0x3FB1]  }
0x2f: {  	lr =	sadd.s32 s0, s3;
	s0 =	sld [smem:$0x3FA8]  }
0x30: {  	s3 =	sld [smem:$0x3FAB]  }
0x31: {  	[smem:$0x3FB4] =	sst s10  }
0x32: {  	s10 =	sld [smem:$0x3FB2];
	_ =	sdelay $0x3  }
0x33: {  	p0 =	seq.s32 s10, $0x1;
	s10 =	sld [smem:$0x3FB4];
	_ =	sdelay $0x3  }
0x34: {  	[smem:$0x3FB4] =	sst s10  }
0x35: {  	s10 =	sld [smem:$0x3FB3];
	_ =	sdelay $0x3  }
0x36: {  	p1 =	seq.s32 s10, $0x1;
	s10 =	sld [smem:$0x3FB4];
	_ =	sdelay $0x3  }
0x37: {  	[smem:$0x3FB4] =	sst s10  }
0x38: {  	s10 =	sld [smem:$0x3FB5]  }
0x39: {  	_ = 	snop;
	(pc) =	sbr.ind lr, $3  }
0x3a: {  	_ = 	snop  }
0x3b: {  	_ = 	snop  }
0x3c: {  	p2 =	seq.s32 s10, $0x1;
	s10 =	sld [smem:$0x3FB4]  }
0x3d: {  	_ =	shalt  }
0x3e: {  	_ =	shalt  }
0x3f: {  	_ =	shalt  }
0x40: {  	_ =	shalt  }
0x41: {  	_ =	shalt  }
0x42: {  	_ =	shalt  }
0x43: {  	_ =	shalt  }
0x44: {  	_ =	shalt  }
0x45: {  	_ =	shalt  }
0x46: {  	_ =	shalt  }
0x47: {  	_ =	shalt  }
0x48: {  	_ =	shalt  }
0x49: {  	_ =	shalt  }
0x4a: {  	_ =	shalt  }
0x4b: {  	_ =	shalt  }
0x4c: {  	_ =	shalt  }
0x4d: {  	_ =	shalt  }
0x4e: {  	_ =	shalt  }
0x4f: {  	_ =	shalt  }
0x50: {  	_ =	shalt  }
0x51: {  	_ =	shalt  }
0x52: {  	_ =	shalt  }
0x53: {  	_ =	shalt  }
0x54: {  	_ =	shalt  }
0x55: {  	_ =	shalt  }
0x56: {  	_ =	shalt  }
0x57: {  	_ =	shalt  }
0x58: {  	_ =	shalt  }
0x59: {  	_ =	shalt  }
0x5a: {  	_ =	shalt  }
0x5b: {  	_ =	shalt  }
0x5c: {  	_ =	shalt  }
0x5d: {  	_ =	shalt  }
0x5e: {  	_ =	shalt  }
0x5f: {  	_ =	shalt  }
0x60: {  	_ =	shalt  }
0x61: {  	_ =	shalt  }
0x62: {  	_ =	shalt  }
0x63: {  	_ =	shalt  }
0x64: {  	_ =	shalt  }
0x65: {  	_ =	shalt  }
0x66: {  	_ =	shalt  }
0x67: {  	_ =	shalt  }
0x68: {  	_ =	shalt  }
0x69: {  	_ =	shalt  }
0x6a: {  	_ =	shalt  }
0x6b: {  	_ =	shalt  }
0x6c: {  	_ =	shalt  }
0x6d: {  	_ =	shalt  }
0x6e: {  	_ =	shalt  }
0x6f: {  	_ =	shalt  }
0x70: {  	_ =	shalt  }
0x71: {  	_ =	shalt  }
0x72: {  	_ =	shalt  }
0x73: {  	_ =	shalt  }
0x74: {  	_ =	shalt  }
0x75: {  	_ =	shalt  }
0x76: {  	_ =	shalt  }
0x77: {  	_ =	shalt  }
0x78: {  	_ =	shalt  }
0x79: {  	_ =	shalt  }
0x7a: {  	_ =	shalt  }
0x7b: {  	_ =	shalt  }
0x7c: {  	_ =	shalt  }
0x7d: {  	_ =	shalt  }
0x7e: {  	_ =	shalt  }
0x7f: {  	_ =	shalt  }
0x80: {  	_ =	shalt  }
0x81: {  	_ =	shalt  }
0x82: {  	_ =	shalt  }
0x83: {  	_ =	shalt  }
0x84: {  	_ =	shalt  }
0x85: {  	_ =	shalt  }
0x86: {  	_ =	shalt  }
0x87: {  	_ =	shalt  }
.Lfunc_end0:
.L_simem_size_0:
called_computation_lowered:
.L_overlay_start_0:
0x88: {  	s2 =	sld [smem:$0x3FD9]  }
0x89: {  	s3 =	sld [smem:$0x3FFE];
	_ =	sdelay $0x1  }
0x8a: {  	s1 =	srdreg.scid  }
0x8b: {  	s0 =	sand.u32 $0x1, s1  }
0x8c: {  	s17 =	sshll.u32 s0, $0xA;
	s2 =	sadd.s32 s3, s2  }
0x8d: {  	s2 =	sadd.s32 s2, s17  }
0x8e: {  	[smem:$0x3FC0] =	sst s2  }
0x8f: {  	_ = 	snop  }
0x90: {  	s2 =	sld [smem:$0x3FC6]  }
0x91: {  	s18 =	sld [smem:$0x3FC5]  }
0x92: {  	s4 =	sld [smem:$0x3FD0];
	(tm) =	ssettm $0x1  }
0x93: {  	s5 =	sld [smem:$0x3FFB];
	_ =	sdelay $0x3  }
0x94: {  	_ =	strace s5  }
0x95: {  	s5 =	sld [smem:$0x3FFC];
	_ =	sdelay $0x3  }
0x96: {  	_ =	strace s5  }
0x97: {  	s5 =	sld [smem:$0x3FFD];
	_ =	sdelay $0x3  }
0x98: {  	_ =	strace s5  }
0x99: {  	_ =	strace $0x8FFFFFFF  }
0x9a: {  	s19 =	sld [smem:$0x3FDB];
	_ =	sdelay $0x1  }
0x9b: {  	s6 =	simm.s32 $_scs_section_size  }
0x9c: {  	s7 =	simm.s32 $_size__tile_overlayer_lowered;
	s8 =	simm.s32 $_tile_overlayer_lowered  }
0x9d: {  	s22 =	simm.s32 $0x1BFF;
	s21 =	sshll.u32 s8, $0x1;
	s5 =	sadd.s32 s6, s19  }
0x9e: {  	s9 =	simm.s32 $0x0;
	s20 =	sshll.u32 s7, $0x1;
	s7 =	sadd.s32 s21, s5  }
0x9f: {  	[timem:s9], [sflag:s22] =	dma.local [hbm:s7], s20  }
0xa0: {  	_ =	swait.ge [sflag:s22], s20  }
0xa1: {  	s6 =	ssub.s32 $0x0, s20;
	[sflag:s22] =	ssyncset.done $0x0  }
0xa2: {  	[sflag:s22] =	ssyncadd.s32 s6;
	_ =	sdelay $0x1  }
0xa3: {  	s23 =	simm.s32 $0x1B8B  }
0xa4: {  	_ =	swait.ge [sflag:s23], $0x1  }
0xa5: {  	[sflag:s23] =	ssyncset.done $0x0  }
0xa6: {  	s25 =	simm.s32 $0x1B8E;
	s24 =	sld [smem:$0x3FFE];
	[sflag:s23] =	ssyncadd.s32 $0xFFFFFFFF  }
0xa7: {  	s26 =	simm.s32 $execute0_lowered;
	[smem:$0x3FD2] =	sst s25  }
0xa8: {  	s7 =	sshll.u32 s26, $0x1;
	_ =	strace $0x80000046;
	[dreg:$0x1] =	wrdreg $0xFFFFFFFF  }
0xa9: {  	s28 =	simm.s32 $_size_execute0_lowered;
	s5 =	sadd.s32 s5, s7;
	[dreg:$0x0] =	wrdreg $0x0  }
0xaa: {  	s7 =	sshll.u32 s28, $0x1;
	[dreg:$0x2] =	wrdreg s5  }
0xab: {  	[dreg:$0x3] =	wrdreg s7  }
0xac: {  	[dreg:$0x4] =	wrdreg $0xC0  }
0xad: {  	_ =	task [dreg:s9], $0x5FFFF  }
0xae: {  	[dreg:$0x1] =	wrdreg $0xFFFFFFFF  }
0xaf: {  	[dreg:$0x0] =	wrdreg $0x60  }
0xb0: {  	[dreg:$0x2] =	wrdreg s24  }
0xb1: {  	[dreg:$0x3] =	wrdreg s2  }
0xb2: {  	[dreg:$0x4] =	wrdreg s18  }
0xb3: {  	[dreg:$0x5] =	wrdreg s4  }
0xb4: {  	[dreg:$0x6] =	wrdreg $0x9  }
0xb5: {  	_ =	task.clear_ibuf [dreg:s9], $0x7FFFF;
	_ =	strace $0x90000046  }
0xb6: {  	s29 =	simm.s32 $0x9;
	_ =	strace $0x80000048  }
0xb7: {  	_ =	swait.ge [sflag:s29], $0x1  }
0xb8: {  	[sflag:s29] =	ssyncadd.s32 $0xFFFFFFFF  }
0xb9: {  	_ =	strace $0x90000048  }
0xba: {  	_ =	sfence  }
0xbb: {  	s30 =	sld [smem:$0x0];
	_ =	sdelay $0x2  }
0xbc: {  	s31 =	sshll.u32 s1, $0xD;
	s1 =	sshrl.u32 s1, $0x2  }
0xbd: {  	s3 =	sand.u32 $0x4000, s31;
	s1 =	sadd.s32 s1, s30  }
0xbe: {  	s0 =	sor.u32 s3, s0;
	s1 =	sshll.u32 s1, $0x11  }
0xbf: {  	s0 =	sor.u32 s1, s0  }
0xc0: {  	s0 =	sadd.s32 $0x8F2B, s0  }
0xc1: {  	[sflag:s0] =	ssyncadd.remote.s32 $0x1  }
0xc2: {  	_ =	sfence.sel $0xFFFF  }
0xc3: {  	[dreg:$0x0] =	wrdreg $0xFFFFFFFF;
	(pc) =	sbr.abs _section_cstart, $3  }
0xc4: {  	[dreg:$0x1] =	wrdreg $0xFFFFFFFF  }
0xc5: {  	_ =	task.clear_ibuf [dreg:s9], $0x2FFFF;
	_ =	strace $0x9FFFFFFF  }
0xc6: {  	(tm) =	ssettm $0x7FFFFFFF  }
0xc7: {  	_ =	shalt  }
tec
execute0_lowered:
.L_overlay_start_1:
0x0: {  	(tag) =	ssettag $0x1  }
0x1: {  	s0 =	rddreg [dreg:$0x0]  }
0x2: {  	s2 =	rddreg [dreg:$0x1]  }
0x3: {  	s3 =	rddreg [dreg:$0x2];
	s1 =	srdreg.scid  }
0x4: {  	s8 =	rddreg [dreg:$0x3];
	s4 =	stileid.u32  }
0x5: {  	s5 =	simm.s32 $0x0;
	s18 =	simm.s32 $0x10A00;
	s19 =	simm.s32 $0x11200  }
0x6: {  	s16 =	simm.s32 $0x2;
	s17 =	simm.s32 $0x8200;
	s20 =	simm.s32 $0x5  }
0x7: {  	s21 =	simm.s32 $0x12200;
	s24 =	simm.s32 $0x0;
	s1 =	sand.u32 $0x1, s1  }
0x8: {  	s4 =	sshll.u32 s4, $0x9;
	[smem:$0x7FF] =	sst s5;
	s9 =	sadd.s32 $0x100, s2  }
0x9: {  	s10 =	sadd.s32 $0x200, s2;
	s11 =	sadd.s32 $0x300, s2;
	s12 =	sadd.s32 $0x100, s3  }
0xa: {  	s13 =	sadd.s32 $0x200, s3;
	s6 =	sshll.u32 s1, $0x8;
	s1 =	ssub.s32 $0x2, s1  }
0xb: {  	s14 =	sadd.s32 $0x300, s3;
	s6 =	sor.u32 s6, s4;
	s7 =	sshrl.u32 s1, $0x1  }
0xc: {  	_ =	strace $0x80000047;
	s4 =	sshrl.u32 s6, $0x3;
	s1 =	ssub.s32 s1, s7  }
.Ltmp0:
0xd: {  	s30 =	sshll.u32 s6, $0x6;
	s7 =	simm.s32 $0x11A00;
	(pc) =	sbr.rel .LBB2_1-.Ltmp0, $4  }
0xe: {  	s0 =	sadd.s32 s4, s0;
	s15 =	sadd.s32 s8, s30;
	s31 =	smax.u32 s1, $0x1  }
0xf: {  	v2 =	vlaneseq.u32;
	s1 =	simm.s32 $0x10200;
	s4 =	sadd.s32 $0xE00, s0;
	[dreg:$0x7] =	wrdreg s31  }
0x10: {  	vm0 =	vmmov $0xffff;
	v1 =	vshrl.u32 v2, $0x3;
	s8 =	simm.s32 $0x1;
	s0 =	sadd.s32 $0x1200, s0;
	[dreg:$0x5] =	wrdreg s4  }
0x11: {  	v0 =	vand.u32 $0x7, v2;
	v2 =	vor.u32 $0x8, v2;
	v1 =	vmul.u32 $0x8, v1;
	[dreg:$0x6] =	wrdreg s0;
	s0 =	simm.s32 $0xFA00;
	s4 =	simm.s32 $0x4  }
.LBB2_8:
0x12: {  	s22 =	simm.s32 $0x3  }
0x13: {  	_ =	swait.ge [sflag:s22], $0x2000  }
0x14: {  	[sflag:s22] =	ssyncset.done $0x0  }
0x15: {  	s23 =	simm.s32 $0x6;
	[sflag:s22] =	ssyncadd.s32 $0xFFFFE000  }
0x16: {  	_ =	swait.ge [sflag:s23], $0x2000  }
0x17: {  	s24 =	rddreg [dreg:$0x8]  }
0x18: {  	s31 =	rddreg [dreg:$0x7];
	s24 =	sadd.s32 $0x1, s24  }
0x19: {  	p0 =	sne.s32 s24, s31  }
.Ltmp1:
0x1a: {  	_ = 	snop;
	(pc) =	sbr.rel @!p0 .LBB2_9-.Ltmp1, $3  }
0x1b: {  	_ =	sdelay $0x1  }
0x1c: {  	[sflag:s23] =	ssyncset.done $0x0  }
0x1d: {  	[sflag:s23] =	ssyncadd.s32 $0xFFFFE000  }
.LBB2_1:
0x1e: {  	[dreg:$0x8] =	wrdreg s24  }
0x1f: {  	s22 =	rddreg [dreg:$0x5];
	s23 =	simm.s32 $0x7  }
0x20: {  	[tilespmem:s5], [sflag:$0x7] =	stream.linear.gather [hbm4b:s22+s5], $0x100, $0x38;
	[tilespmem:$0x14200] =	vst v63  }
0x21: {  	_ =	swait.ge [sflag:s23], $0x100  }
0x22: {  	[sflag:s23] =	ssyncset.done $0x0  }
0x23: {  	s28 =	simm.s32 $0x100;
	s26 =	rddreg [dreg:$0x6];
	[sflag:s23] =	ssyncadd.s32 $0xFFFFFF00  }
0x24: {  	[tilespmem:s28], [sflag:$0x7] =	stream.linear.gather [hbm4b:s26+s5], $0x100, $0x38;
	[tilespmem:$0x14200] =	vst v63  }
0x25: {  	_ =	swait.ge [sflag:s23], $0x100  }
0x26: {  	[sflag:s23] =	ssyncset.done $0x0  }
0x27: {  	[sflag:s23] =	ssyncadd.s32 $0xFFFFFF00  }
0x28: {  	v3 =	vld [tilespmem:$0x0];
	_ =	sdelay $0x4  }
0x29: {  	v4 =	vshll.u32 v3, $0x3  }
0x2a: {  	v3 =	vand.u32 $0x7, v3;
	v4 =	vand.u32 $0xFFFFFFC0, v4  }
0x2b: {  	v3 =	vor.u32 v3, v4  }
0x2c: {  	v4 =	vperm.xlane v3, v0;
	_ =	sdelay $0x1  }
0x2d: {  	v4 =	vadd.s32 v1, v4;
	_ =	sdelay $0x3  }
0x2e: {  	s29 =	simm.s32 $0x200  }
0x2f: {  	[tilespmem:s29], [sflag:$0x1] =	stream.indirect_vreg.gather [hbm4b:s2+s5], $0x80, v4, vm0, $0xb8;
	[tilespmem:$0x14200] =	vst v63  }
0x30: {  	s30 =	simm.s32 $0xA00;
	v3 =	vperm.xlane v3, v2  }
0x31: {  	[tilespmem:s30], [sflag:$0x1] =	stream.indirect_vreg.gather [hbm4b:s9+s5], $0x80, v4, vm0, $0xb8;
	[tilespmem:$0x14200] =	vst v63  }
0x32: {  	s31 =	simm.s32 $0x1200;
	v3 =	vadd.s32 v1, v3  }
0x33: {  	[tilespmem:s31], [sflag:$0x1] =	stream.indirect_vreg.gather [hbm4b:s10+s5], $0x80, v4, vm0, $0xb8;
	[tilespmem:$0x14200] =	vst v63  }
0x34: {  	s23 =	simm.s32 $0x1A00  }
0x35: {  	[tilespmem:s23], [sflag:$0x1] =	stream.indirect_vreg.gather [hbm4b:s11+s5], $0x80, v4, vm0, $0xb8;
	[tilespmem:$0x14200] =	vst v63  }
0x36: {  	s24 =	simm.s32 $0x2200  }
0x37: {  	[tilespmem:s24], [sflag:$0x1] =	stream.indirect_vreg.gather [hbm4b:s2+s5], $0x80, v3, vm0, $0xb8;
	[tilespmem:$0x14200] =	vst v63  }
0x38: {  	s25 =	simm.s32 $0x2A00  }
0x39: {  	[tilespmem:s25], [sflag:$0x1] =	stream.indirect_vreg.gather [hbm4b:s9+s5], $0x80, v3, vm0, $0xb8;
	[tilespmem:$0x14200] =	vst v63  }
0x3a: {  	s26 =	simm.s32 $0x3200  }
0x3b: {  	[tilespmem:s26], [sflag:$0x1] =	stream.indirect_vreg.gather [hbm4b:s10+s5], $0x80, v3, vm0, $0xb8;
	[tilespmem:$0x14200] =	vst v63  }
0x3c: {  	s28 =	simm.s32 $0x3A00  }
0x3d: {  	[tilespmem:s28], [sflag:$0x1] =	stream.indirect_vreg.gather [hbm4b:s11+s5], $0x80, v3, vm0, $0xb8;
	[tilespmem:$0x14200] =	vst v63  }
0x3e: {  	v3 =	vld [tilespmem:$0x100];
	_ =	sdelay $0x4  }
0x3f: {  	v61 =	vshll.u32 v3, $0x3  }
0x40: {  	v3 =	vand.u32 $0x7, v3;
	v4 =	vand.u32 $0xFFFFFFC0, v61  }
0x41: {  	v3 =	vor.u32 v3, v4  }
0x42: {  	v4 =	vperm.xlane v3, v0;
	_ =	sdelay $0x1  }
0x43: {  	v4 =	vadd.s32 v1, v4;
	_ =	sdelay $0x3  }
0x44: {  	s29 =	simm.s32 $0x4200  }
0x45: {  	[tilespmem:s29], [sflag:$0x2] =	stream.indirect_vreg.gather [hbm4b:s3+s5], $0x80, v4, vm0, $0xb8;
	[tilespmem:$0x14200] =	vst v63  }
0x46: {  	s30 =	simm.s32 $0x4A00;
	v3 =	vperm.xlane v3, v2  }
0x47: {  	[tilespmem:s30], [sflag:$0x2] =	stream.indirect_vreg.gather [hbm4b:s12+s5], $0x80, v4, vm0, $0xb8;
	[tilespmem:$0x14200] =	vst v63  }
0x48: {  	s31 =	simm.s32 $0x5200;
	v3 =	vadd.s32 v1, v3  }
0x49: {  	[tilespmem:s31], [sflag:$0x2] =	stream.indirect_vreg.gather [hbm4b:s13+s5], $0x80, v4, vm0, $0xb8;
	[tilespmem:$0x14200] =	vst v63  }
0x4a: {  	s23 =	simm.s32 $0x5A00  }
0x4b: {  	[tilespmem:s23], [sflag:$0x2] =	stream.indirect_vreg.gather [hbm4b:s14+s5], $0x80, v4, vm0, $0xb8;
	[tilespmem:$0x14200] =	vst v63  }
0x4c: {  	s24 =	simm.s32 $0x6200  }
0x4d: {  	[tilespmem:s24], [sflag:$0x2] =	stream.indirect_vreg.gather [hbm4b:s3+s5], $0x80, v3, vm0, $0xb8;
	[tilespmem:$0x14200] =	vst v63  }
0x4e: {  	s25 =	simm.s32 $0x6A00  }
0x4f: {  	[tilespmem:s25], [sflag:$0x2] =	stream.indirect_vreg.gather [hbm4b:s12+s5], $0x80, v3, vm0, $0xb8;
	[tilespmem:$0x14200] =	vst v63  }
0x50: {  	s26 =	simm.s32 $0x7200  }
0x51: {  	[tilespmem:s26], [sflag:$0x2] =	stream.indirect_vreg.gather [hbm4b:s13+s5], $0x80, v3, vm0, $0xb8;
	[tilespmem:$0x14200] =	vst v63  }
0x52: {  	s28 =	simm.s32 $0x7A00  }
0x53: {  	[tilespmem:s28], [sflag:$0x2] =	stream.indirect_vreg.gather [hbm4b:s14+s5], $0x80, v3, vm0, $0xb8;
	[tilespmem:$0x14200] =	vst v63  }
0x54: {  	v3 =	vld [tilespmem:$0x10];
	_ =	sdelay $0x4  }
0x55: {  	v62 =	vshll.u32 v3, $0x3  }
0x56: {  	v3 =	vand.u32 $0x7, v3;
	v4 =	vand.u32 $0xFFFFFFC0, v62  }
0x57: {  	v3 =	vor.u32 v3, v4  }
0x58: {  	v4 =	vperm.xlane v3, v0;
	_ =	sdelay $0x1  }
0x59: {  	v4 =	vadd.s32 v1, v4;
	_ =	sdelay $0x3  }
0x5a: {  	s29 =	simm.s32 $0xA200  }
0x5b: {  	[tilespmem:s29], [sflag:$0x4] =	stream.indirect_vreg.gather [hbm4b:s2+s5], $0x80, v4, vm0, $0xb8;
	[tilespmem:$0x14200] =	vst v63  }
0x5c: {  	s30 =	simm.s32 $0xAA00;
	v3 =	vperm.xlane v3, v2  }
0x5d: {  	[tilespmem:s30], [sflag:$0x4] =	stream.indirect_vreg.gather [hbm4b:s9+s5], $0x80, v4, vm0, $0xb8;
	[tilespmem:$0x14200] =	vst v63  }
0x5e: {  	s31 =	simm.s32 $0xB200;
	v3 =	vadd.s32 v1, v3  }
0x5f: {  	[tilespmem:s31], [sflag:$0x4] =	stream.indirect_vreg.gather [hbm4b:s10+s5], $0x80, v4, vm0, $0xb8;
	[tilespmem:$0x14200] =	vst v63  }
0x60: {  	s23 =	simm.s32 $0xBA00  }
0x61: {  	[tilespmem:s23], [sflag:$0x4] =	stream.indirect_vreg.gather [hbm4b:s11+s5], $0x80, v4, vm0, $0xb8;
	[tilespmem:$0x14200] =	vst v63  }
0x62: {  	s24 =	simm.s32 $0xC200  }
0x63: {  	[tilespmem:s24], [sflag:$0x4] =	stream.indirect_vreg.gather [hbm4b:s2+s5], $0x80, v3, vm0, $0xb8;
	[tilespmem:$0x14200] =	vst v63  }
0x64: {  	s25 =	simm.s32 $0xCA00  }
0x65: {  	[tilespmem:s25], [sflag:$0x4] =	stream.indirect_vreg.gather [hbm4b:s9+s5], $0x80, v3, vm0, $0xb8;
	[tilespmem:$0x14200] =	vst v63  }
0x66: {  	s26 =	simm.s32 $0xD200  }
0x67: {  	[tilespmem:s26], [sflag:$0x4] =	stream.indirect_vreg.gather [hbm4b:s10+s5], $0x80, v3, vm0, $0xb8;
	[tilespmem:$0x14200] =	vst v63  }
0x68: {  	s28 =	simm.s32 $0xDA00  }
0x69: {  	[tilespmem:s28], [sflag:$0x4] =	stream.indirect_vreg.gather [hbm4b:s11+s5], $0x80, v3, vm0, $0xb8;
	[tilespmem:$0x14200] =	vst v63  }
0x6a: {  	v3 =	vld [tilespmem:$0x110];
	_ =	sdelay $0x4  }
0x6b: {  	v63 =	vshll.u32 v3, $0x3  }
0x6c: {  	v3 =	vand.u32 $0x7, v3;
	v4 =	vand.u32 $0xFFFFFFC0, v63  }
0x6d: {  	v3 =	vor.u32 v3, v4  }
0x6e: {  	v4 =	vperm.xlane v3, v0;
	_ =	sdelay $0x1  }
0x6f: {  	v4 =	vadd.s32 v1, v4;
	_ =	sdelay $0x3  }
0x70: {  	s29 =	simm.s32 $0xE200  }
0x71: {  	[tilespmem:s29], [sflag:$0x5] =	stream.indirect_vreg.gather [hbm4b:s3+s5], $0x80, v4, vm0, $0xb8;
	[tilespmem:$0x14200] =	vst v63  }
0x72: {  	s30 =	simm.s32 $0xEA00;
	v3 =	vperm.xlane v3, v2  }
0x73: {  	[tilespmem:s30], [sflag:$0x5] =	stream.indirect_vreg.gather [hbm4b:s12+s5], $0x80, v4, vm0, $0xb8;
	[tilespmem:$0x14200] =	vst v63  }
0x74: {  	s31 =	simm.s32 $0xF200;
	v3 =	vadd.s32 v1, v3  }
0x75: {  	[tilespmem:s31], [sflag:$0x5] =	stream.indirect_vreg.gather [hbm4b:s13+s5], $0x80, v4, vm0, $0xb8;
	[tilespmem:$0x14200] =	vst v63  }
0x76: {  	_ = 	snop  }
0x77: {  	[tilespmem:s0], [sflag:$0x5] =	stream.indirect_vreg.gather [hbm4b:s14+s5], $0x80, v4, vm0, $0xb8;
	[tilespmem:$0x14200] =	vst v63  }
0x78: {  	_ = 	snop  }
0x79: {  	[tilespmem:s1], [sflag:$0x5] =	stream.indirect_vreg.gather [hbm4b:s3+s5], $0x80, v3, vm0, $0xb8;
	[tilespmem:$0x14200] =	vst v63  }
0x7a: {  	_ = 	snop  }
0x7b: {  	[tilespmem:s18], [sflag:$0x5] =	stream.indirect_vreg.gather [hbm4b:s12+s5], $0x80, v3, vm0, $0xb8;
	[tilespmem:$0x14200] =	vst v63  }
0x7c: {  	_ = 	snop  }
0x7d: {  	[tilespmem:s19], [sflag:$0x5] =	stream.indirect_vreg.gather [hbm4b:s13+s5], $0x80, v3, vm0, $0xb8;
	[tilespmem:$0x14200] =	vst v63  }
0x7e: {  	s22 =	simm.s32 $0x0  }
0x7f: {  	[tilespmem:s7], [sflag:$0x5] =	stream.indirect_vreg.gather [hbm4b:s14+s5], $0x80, v3, vm0, $0xb8;
	[tilespmem:$0x14200] =	vst v63  }
.LBB2_2:
0x80: {  	_ =	swait.ge [sflag:s8], $0x4000  }
0x81: {  	[sflag:s8] =	ssyncset.done $0x0  }
0x82: {  	[sflag:s8] =	ssyncadd.s32 $0xFFFFC000  }
0x83: {  	_ =	swait.ge [sflag:s16], $0x4000  }
0x84: {  	p0 =	seq.s32 s22, $0x0;
	[sflag:s16] =	ssyncset.done $0x0  }
0x85: {  	s24 =	simm.s32 @!p0 $0x3;
	[sflag:s16] =	ssyncadd.s32 $0xFFFFC000  }
0x86: {  	_ =	swait.ge @!p0 [sflag:s24], $0x2000  }
0x87: {  	s23 =	sshll.u32 s22, $0x5;
	[sflag:s24] =	ssyncset.done @!p0 $0x0  }
0x88: {  	s25 =	simm.s32 $0x0;
	[sflag:s24] =	ssyncadd.s32 @!p0 $0xFFFFE000;
	s24 =	simm.s32 $0x0  }
.LBB2_3:
0x89: {  	s26 =	sand.u32 $0x70, s25;
	s28 =	sand.u32 $0xC00, s24  }
0x8a: {  	s26 =	sor.u32 s26, s28  }
0x8b: {  	v3 =	vld [tilespmem:s26+$0x200]  }
0x8c: {  	v4 =	vld [tilespmem:s26+$0x4200]  }
0x8d: {  	v5 =	vld [tilespmem:s26+$0x1200]  }
0x8e: {  	v6 =	vld [tilespmem:s26+$0x5200]  }
0x8f: {  	v7 =	vld [tilespmem:s26+$0x280]  }
0x90: {  	v8 =	vld [tilespmem:s26+$0x4280]  }
0x91: {  	v9 =	vld [tilespmem:s26+$0x1280]  }
0x92: {  	v10 =	vld [tilespmem:s26+$0x5280]  }
0x93: {  	v11 =	vld [tilespmem:s26+$0x300]  }
0x94: {  	v12 =	vld [tilespmem:s26+$0x4300]  }
0x95: {  	v13 =	vld [tilespmem:s26+$0x1300]  }
0x96: {  	v14 =	vld [tilespmem:s26+$0x5300];
	_ =	sdelay $0x2  }
0x97: {  	v3 =	vadd.f32 v4, v3;
	v45 =	vadd.f32 v6, v5  }
0x98: {  	v46 =	vadd.f32 v8, v7;
	v47 =	vadd.f32 v10, v9  }
0x99: {  	v48 =	vadd.f32 v12, v11;
	v49 =	vadd.f32 v14, v13;
	v3 =	vpack.i.f32.bf16 v45, v3  }
0x9a: {  	s30 =	sand.u32 $0xFFFFFC00, s24;
	[tilespmem:s26+$0x8200] =	vst v3;
	v3 =	vpack.i.f32.bf16 v47, v46  }
0x9b: {  	s28 =	sadd.s32 s30, s25;
	[tilespmem:s26+$0x8280] =	vst v3;
	v3 =	vpack.i.f32.bf16 v49, v48  }
0x9c: {  	s29 =	sor.u32 $0x180, s28;
	[tilespmem:s26+$0x8300] =	vst v3  }
0x9d: {  	v3 =	vld [tilespmem:s29+$0x200]  }
0x9e: {  	s30 =	sor.u32 $0x1180, s28;
	v50 =	vld [tilespmem:s29+$0x4200]  }
0x9f: {  	v51 =	vld [tilespmem:s30+$0x200]  }
0xa0: {  	v52 =	vld [tilespmem:s30+$0x4200];
	_ =	sdelay $0x4  }
0xa1: {  	v3 =	vadd.f32 v50, v3;
	v53 =	vadd.f32 v52, v51;
	_ =	sdelay $0x1  }
0xa2: {  	v3 =	vpack.i.f32.bf16 v53, v3  }
0xa3: {  	[tilespmem:s29+$0x8200] =	vst v3  }
0xa4: {  	v3 =	vld [tilespmem:s26+$0x400]  }
0xa5: {  	v54 =	vld [tilespmem:s26+$0x4400]  }
0xa6: {  	v55 =	vld [tilespmem:s26+$0x1400]  }
0xa7: {  	v56 =	vld [tilespmem:s26+$0x5400]  }
0xa8: {  	v57 =	vld [tilespmem:s26+$0x480]  }
0xa9: {  	v58 =	vld [tilespmem:s26+$0x4480]  }
0xaa: {  	v59 =	vld [tilespmem:s26+$0x1480]  }
0xab: {  	v60 =	vld [tilespmem:s26+$0x5480]  }
0xac: {  	v61 =	vld [tilespmem:s26+$0x500]  }
0xad: {  	v62 =	vld [tilespmem:s26+$0x4500]  }
0xae: {  	v63 =	vld [tilespmem:s26+$0x1500]  }
0xaf: {  	v16 =	vld [tilespmem:s26+$0x5500];
	_ =	sdelay $0x2  }
0xb0: {  	v3 =	vadd.f32 v54, v3;
	v17 =	vadd.f32 v56, v55  }
0xb1: {  	v18 =	vadd.f32 v58, v57;
	v19 =	vadd.f32 v60, v59  }
0xb2: {  	v20 =	vadd.f32 v62, v61;
	v21 =	vadd.f32 v16, v63;
	v3 =	vpack.i.f32.bf16 v17, v3  }
0xb3: {  	[tilespmem:s26+$0x8400] =	vst v3;
	v3 =	vpack.i.f32.bf16 v19, v18  }
0xb4: {  	s29 =	sor.u32 s25, s24;
	[tilespmem:s26+$0x8480] =	vst v3;
	v3 =	vpack.i.f32.bf16 v21, v20  }
0xb5: {  	s30 =	sor.u32 $0x380, s29;
	[tilespmem:s26+$0x8500] =	vst v3  }
0xb6: {  	v3 =	vld [tilespmem:s30+$0x200]  }
0xb7: {  	s31 =	sor.u32 $0x1380, s29;
	v22 =	vld [tilespmem:s30+$0x4200]  }
0xb8: {  	v23 =	vld [tilespmem:s31+$0x200]  }
0xb9: {  	v24 =	vld [tilespmem:s31+$0x4200];
	_ =	sdelay $0x4  }
0xba: {  	v3 =	vadd.f32 v22, v3;
	v25 =	vadd.f32 v24, v23;
	_ =	sdelay $0x1  }
0xbb: {  	v3 =	vpack.i.f32.bf16 v25, v3  }
0xbc: {  	[tilespmem:s30+$0x8200] =	vst v3  }
0xbd: {  	v3 =	vld [tilespmem:s26+$0x2200]  }
0xbe: {  	v26 =	vld [tilespmem:s26+$0x6200]  }
0xbf: {  	v27 =	vld [tilespmem:s26+$0x3200]  }
0xc0: {  	v28 =	vld [tilespmem:s26+$0x7200]  }
0xc1: {  	v29 =	vld [tilespmem:s26+$0x2280]  }
0xc2: {  	v30 =	vld [tilespmem:s26+$0x6280]  }
0xc3: {  	v31 =	vld [tilespmem:s26+$0x3280]  }
0xc4: {  	v32 =	vld [tilespmem:s26+$0x7280]  }
0xc5: {  	v33 =	vld [tilespmem:s26+$0x2300]  }
0xc6: {  	v34 =	vld [tilespmem:s26+$0x6300]  }
0xc7: {  	v35 =	vld [tilespmem:s26+$0x3300]  }
0xc8: {  	v36 =	vld [tilespmem:s26+$0x7300]  }
0xc9: {  	v45 =	vld [tilespmem:s26+$0x2400]  }
0xca: {  	v46 =	vld [tilespmem:s26+$0x6400]  }
0xcb: {  	v47 =	vld [tilespmem:s26+$0x3400]  }
0xcc: {  	v48 =	vld [tilespmem:s26+$0x7400];
	v3 =	vadd.f32 v26, v3;
	v37 =	vadd.f32 v28, v27  }
0xcd: {  	v49 =	vld [tilespmem:s26+$0x2480];
	v38 =	vadd.f32 v30, v29;
	v39 =	vadd.f32 v32, v31  }
0xce: {  	v50 =	vld [tilespmem:s26+$0x6480];
	v40 =	vadd.f32 v34, v33;
	v41 =	vadd.f32 v36, v35;
	v3 =	vpack.i.f32.bf16 v37, v3  }
0xcf: {  	v51 =	vld [tilespmem:s26+$0x3480];
	[tilespmem:s26+$0x9200] =	vst v3;
	v3 =	vpack.i.f32.bf16 v39, v38  }
0xd0: {  	v52 =	vld [tilespmem:s26+$0x7480];
	[tilespmem:s26+$0x9280] =	vst v3;
	v3 =	vpack.i.f32.bf16 v41, v40  }
0xd1: {  	s31 =	sor.u32 $0x2180, s28;
	v15 =	vld [tilespmem:s26+$0x2500];
	[tilespmem:s26+$0x9300] =	vst v3  }
0xd2: {  	v3 =	vld [tilespmem:s31+$0x200]  }
0xd3: {  	s28 =	sor.u32 $0x3180, s28;
	v42 =	vld [tilespmem:s31+$0x4200]  }
0xd4: {  	v43 =	vld [tilespmem:s28+$0x200]  }
0xd5: {  	v44 =	vld [tilespmem:s28+$0x4200]  }
0xd6: {  	v16 =	vld [tilespmem:s26+$0x6500]  }
0xd7: {  	v17 =	vld [tilespmem:s26+$0x3500]  }
0xd8: {  	v18 =	vld [tilespmem:s26+$0x7500];
	_ =	sdelay $0x1  }
0xd9: {  	v3 =	vadd.f32 v42, v3;
	v53 =	vadd.f32 v44, v43  }
0xda: {  	v54 =	vadd.f32 v46, v45;
	v55 =	vadd.f32 v48, v47  }
0xdb: {  	v56 =	vadd.f32 v50, v49;
	v57 =	vadd.f32 v52, v51;
	v3 =	vpack.i.f32.bf16 v53, v3  }
0xdc: {  	v58 =	vadd.f32 v16, v15;
	v59 =	vadd.f32 v18, v17;
	[tilespmem:s26+$0x9380] =	vst v3;
	v3 =	vpack.i.f32.bf16 v55, v54  }
0xdd: {  	[tilespmem:s26+$0x9400] =	vst v3;
	v3 =	vpack.i.f32.bf16 v57, v56  }
0xde: {  	[tilespmem:s26+$0x9480] =	vst v3;
	v3 =	vpack.i.f32.bf16 v59, v58  }
0xdf: {  	s30 =	sor.u32 $0x2380, s29;
	[tilespmem:s26+$0x9500] =	vst v3  }
0xe0: {  	v3 =	vld [tilespmem:s30+$0x200]  }
0xe1: {  	s31 =	sor.u32 $0x3380, s29;
	v60 =	vld [tilespmem:s30+$0x4200]  }
0xe2: {  	v61 =	vld [tilespmem:s31+$0x200]  }
0xe3: {  	v62 =	vld [tilespmem:s31+$0x4200];
	_ =	sdelay $0x2  }
0xe4: {  	p1 =	sne.s32 s25, $0x1F0  }
.Ltmp2:
0xe5: {  	_ = 	snop;
	(pc) =	sbr.rel @p1 .LBB2_3-.Ltmp2, $3  }
0xe6: {  	v3 =	vadd.f32 v60, v3;
	v63 =	vadd.f32 v62, v61;
	_ =	sdelay $0x1  }
0xe7: {  	v3 =	vpack.i.f32.bf16 v63, v3  }
0xe8: {  	s24 =	sadd.s32 $0x80, s24;
	s25 =	sadd.s32 $0x10, s25;
	[tilespmem:s26+$0x9580] =	vst v3  }
0xe9: {  	s24 =	sshll.u32 s22, $0xB  }
0xea: {  	p1 =	seq.s32 s22, $0x7;
	s24 =	sadd.s32 s24, s15  }
0xeb: {  	[hbm4b:s24+s5] =	stream.linear.scatter [tilespmem:s17], [sflag:$0x3], $0x2000, $0x38;
	[tilespmem:$0x14200] =	vst v63  }
0xec: {  	v3 =	vld @!p1 [tilespmem:s23+$0x20];
	_ =	sdelay $0x4  }
0xed: {  	v4 =	vshll.u32 @!p1 v3, $0x3  }
0xee: {  	v5 =	vlaneseq.u32 @!p1;
	v3 =	vand.u32 @!p1 $0x7, v3;
	v4 =	vand.u32 @!p1 $0xFFFFFFC0, v4  }
0xef: {  	v6 =	vshrl.u32 @!p1 v5, $0x3;
	v3 =	vor.u32 @!p1 v3, v4;
	v4 =	vand.u32 @!p1 $0x7, v5  }
0xf0: {  	v6 =	vmul.u32 @!p1 $0x8, v6;
	v7 =	vperm.xlane @!p1 v3, v4;
	_ =	sdelay $0x1  }
0xf1: {  	v7 =	vadd.s32 @!p1 v6, v7;
	_ =	sdelay $0x3  }
0xf2: {  	vm1 =	vmmov @!p1 $0xffff;
	s25 =	simm.s32 @!p1 $0x200;
	s24 =	simm.s32 @!p1 $0x0  }
0xf3: {  	v5 =	vor.u32 @!p1 $0x8, v5;
	[tilespmem:s25], [sflag:$0x1] =	stream.indirect_vreg.gather @!p1 [hbm4b:s2+s24], $0x80, v7, vm1, $0xb8;
	[tilespmem:$0x14200] =	vst v63  }
0xf4: {  	v3 =	vperm.xlane @!p1 v3, v5;
	s25 =	simm.s32 @!p1 $0xA00  }
0xf5: {  	[tilespmem:s25], [sflag:$0x1] =	stream.indirect_vreg.gather @!p1 [hbm4b:s9+s24], $0x80, v7, vm1, $0xb8;
	[tilespmem:$0x14200] =	vst v63  }
0xf6: {  	v3 =	vadd.s32 @!p1 v6, v3;
	s25 =	simm.s32 @!p1 $0x1200  }
0xf7: {  	[tilespmem:s25], [sflag:$0x1] =	stream.indirect_vreg.gather @!p1 [hbm4b:s10+s24], $0x80, v7, vm1, $0xb8;
	[tilespmem:$0x14200] =	vst v63  }
0xf8: {  	s25 =	simm.s32 @!p1 $0x1A00  }
0xf9: {  	[tilespmem:s25], [sflag:$0x1] =	stream.indirect_vreg.gather @!p1 [hbm4b:s11+s24], $0x80, v7, vm1, $0xb8;
	[tilespmem:$0x14200] =	vst v63  }
0xfa: {  	s25 =	simm.s32 @!p1 $0x2200  }
0xfb: {  	[tilespmem:s25], [sflag:$0x1] =	stream.indirect_vreg.gather @!p1 [hbm4b:s2+s24], $0x80, v3, vm1, $0xb8;
	[tilespmem:$0x14200] =	vst v63  }
0xfc: {  	s25 =	simm.s32 @!p1 $0x2A00  }
0xfd: {  	[tilespmem:s25], [sflag:$0x1] =	stream.indirect_vreg.gather @!p1 [hbm4b:s9+s24], $0x80, v3, vm1, $0xb8;
	[tilespmem:$0x14200] =	vst v63  }
0xfe: {  	s25 =	simm.s32 @!p1 $0x3200  }
0xff: {  	[tilespmem:s25], [sflag:$0x1] =	stream.indirect_vreg.gather @!p1 [hbm4b:s10+s24], $0x80, v3, vm1, $0xb8;
	[tilespmem:$0x14200] =	vst v63  }
0x100: {  	s25 =	simm.s32 @!p1 $0x3A00  }
0x101: {  	[tilespmem:s25], [sflag:$0x1] =	stream.indirect_vreg.gather @!p1 [hbm4b:s11+s24], $0x80, v3, vm1, $0xb8;
	[tilespmem:$0x14200] =	vst v63  }
0x102: {  	v3 =	vld @!p1 [tilespmem:s23+$0x120];
	_ =	sdelay $0x4  }
0x103: {  	v7 =	vshll.u32 @!p1 v3, $0x3  }
0x104: {  	v3 =	vand.u32 @!p1 $0x7, v3;
	v7 =	vand.u32 @!p1 $0xFFFFFFC0, v7  }
0x105: {  	v3 =	vor.u32 @!p1 v3, v7  }
0x106: {  	v4 =	vperm.xlane @!p1 v3, v4;
	_ =	sdelay $0x1  }
0x107: {  	v4 =	vadd.s32 @!p1 v6, v4;
	_ =	sdelay $0x3  }
0x108: {  	s25 =	simm.s32 @!p1 $0x4200  }
0x109: {  	[tilespmem:s25], [sflag:$0x2] =	stream.indirect_vreg.gather @!p1 [hbm4b:s3+s24], $0x80, v4, vm1, $0xb8;
	[tilespmem:$0x14200] =	vst v63  }
0x10a: {  	v3 =	vperm.xlane @!p1 v3, v5;
	s25 =	simm.s32 @!p1 $0x4A00  }
0x10b: {  	[tilespmem:s25], [sflag:$0x2] =	stream.indirect_vreg.gather @!p1 [hbm4b:s12+s24], $0x80, v4, vm1, $0xb8;
	[tilespmem:$0x14200] =	vst v63  }
0x10c: {  	v3 =	vadd.s32 @!p1 v6, v3;
	s25 =	simm.s32 @!p1 $0x5200  }
0x10d: {  	[tilespmem:s25], [sflag:$0x2] =	stream.indirect_vreg.gather @!p1 [hbm4b:s13+s24], $0x80, v4, vm1, $0xb8;
	[tilespmem:$0x14200] =	vst v63  }
0x10e: {  	s25 =	simm.s32 @!p1 $0x5A00  }
0x10f: {  	[tilespmem:s25], [sflag:$0x2] =	stream.indirect_vreg.gather @!p1 [hbm4b:s14+s24], $0x80, v4, vm1, $0xb8;
	[tilespmem:$0x14200] =	vst v63  }
0x110: {  	s25 =	simm.s32 @!p1 $0x6200  }
0x111: {  	[tilespmem:s25], [sflag:$0x2] =	stream.indirect_vreg.gather @!p1 [hbm4b:s3+s24], $0x80, v3, vm1, $0xb8;
	[tilespmem:$0x14200] =	vst v63  }
0x112: {  	s25 =	simm.s32 @!p1 $0x6A00  }
0x113: {  	[tilespmem:s25], [sflag:$0x2] =	stream.indirect_vreg.gather @!p1 [hbm4b:s12+s24], $0x80, v3, vm1, $0xb8;
	[tilespmem:$0x14200] =	vst v63  }
0x114: {  	s25 =	simm.s32 @!p1 $0x7200  }
0x115: {  	[tilespmem:s25], [sflag:$0x2] =	stream.indirect_vreg.gather @!p1 [hbm4b:s13+s24], $0x80, v3, vm1, $0xb8;
	[tilespmem:$0x14200] =	vst v63  }
0x116: {  	s25 =	simm.s32 @!p1 $0x7A00  }
0x117: {  	[tilespmem:s25], [sflag:$0x2] =	stream.indirect_vreg.gather @!p1 [hbm4b:s14+s24], $0x80, v3, vm1, $0xb8;
	[tilespmem:$0x14200] =	vst v63  }
0x118: {  	_ =	swait.ge [sflag:s4], $0x4000  }
0x119: {  	[sflag:s4] =	ssyncset.done $0x0  }
0x11a: {  	[sflag:s4] =	ssyncadd.s32 $0xFFFFC000  }
0x11b: {  	_ =	swait.ge [sflag:s20], $0x4000  }
0x11c: {  	[sflag:s20] =	ssyncset.done $0x0  }
0x11d: {  	s24 =	simm.s32 @!p0 $0x6;
	[sflag:s20] =	ssyncadd.s32 $0xFFFFC000  }
0x11e: {  	_ =	swait.ge @!p0 [sflag:s24], $0x2000  }
0x11f: {  	[sflag:s24] =	ssyncset.done @!p0 $0x0  }
0x120: {  	s25 =	simm.s32 $0x0;
	[sflag:s24] =	ssyncadd.s32 @!p0 $0xFFFFE000;
	s24 =	simm.s32 $0x0  }
.LBB2_5:
0x121: {  	s26 =	sand.u32 $0x70, s25;
	s28 =	sand.u32 $0xC00, s24  }
0x122: {  	s26 =	sor.u32 s26, s28  }
0x123: {  	v3 =	vld [tilespmem:s26+$0xA200]  }
0x124: {  	v4 =	vld [tilespmem:s26+$0xE200]  }
0x125: {  	v5 =	vld [tilespmem:s26+$0xB200]  }
0x126: {  	v6 =	vld [tilespmem:s26+$0xF200]  }
0x127: {  	v7 =	vld [tilespmem:s26+$0xA280]  }
0x128: {  	v8 =	vld [tilespmem:s26+$0xE280]  }
0x129: {  	v9 =	vld [tilespmem:s26+$0xB280]  }
0x12a: {  	v10 =	vld [tilespmem:s26+$0xF280]  }
0x12b: {  	v11 =	vld [tilespmem:s26+$0xA300]  }
0x12c: {  	v12 =	vld [tilespmem:s26+$0xE300]  }
0x12d: {  	v13 =	vld [tilespmem:s26+$0xB300]  }
0x12e: {  	v14 =	vld [tilespmem:s26+$0xF300];
	_ =	sdelay $0x2  }
0x12f: {  	v3 =	vadd.f32 v4, v3;
	v45 =	vadd.f32 v6, v5  }
0x130: {  	v46 =	vadd.f32 v8, v7;
	v47 =	vadd.f32 v10, v9  }
0x131: {  	v48 =	vadd.f32 v12, v11;
	v49 =	vadd.f32 v14, v13;
	v3 =	vpack.i.f32.bf16 v45, v3  }
0x132: {  	s30 =	sand.u32 $0xFFFFFC00, s24;
	[tilespmem:s26+$0x12200] =	vst v3;
	v3 =	vpack.i.f32.bf16 v47, v46  }
0x133: {  	s28 =	sadd.s32 s30, s25;
	[tilespmem:s26+$0x12280] =	vst v3;
	v3 =	vpack.i.f32.bf16 v49, v48  }
0x134: {  	s29 =	sor.u32 $0x180, s28;
	[tilespmem:s26+$0x12300] =	vst v3  }
0x135: {  	v3 =	vld [tilespmem:s29+$0xA200]  }
0x136: {  	s30 =	sor.u32 $0x1180, s28;
	v50 =	vld [tilespmem:s29+$0xE200]  }
0x137: {  	v51 =	vld [tilespmem:s30+$0xA200]  }
0x138: {  	v52 =	vld [tilespmem:s30+$0xE200];
	_ =	sdelay $0x4  }
0x139: {  	v3 =	vadd.f32 v50, v3;
	v53 =	vadd.f32 v52, v51;
	_ =	sdelay $0x1  }
0x13a: {  	v3 =	vpack.i.f32.bf16 v53, v3  }
0x13b: {  	[tilespmem:s29+$0x12200] =	vst v3  }
0x13c: {  	v3 =	vld [tilespmem:s26+$0xA400]  }
0x13d: {  	v54 =	vld [tilespmem:s26+$0xE400]  }
0x13e: {  	v55 =	vld [tilespmem:s26+$0xB400]  }
0x13f: {  	v56 =	vld [tilespmem:s26+$0xF400]  }
0x140: {  	v57 =	vld [tilespmem:s26+$0xA480]  }
0x141: {  	v58 =	vld [tilespmem:s26+$0xE480]  }
0x142: {  	v59 =	vld [tilespmem:s26+$0xB480]  }
0x143: {  	v60 =	vld [tilespmem:s26+$0xF480]  }
0x144: {  	v61 =	vld [tilespmem:s26+$0xA500]  }
0x145: {  	v62 =	vld [tilespmem:s26+$0xE500]  }
0x146: {  	v63 =	vld [tilespmem:s26+$0xB500]  }
0x147: {  	v16 =	vld [tilespmem:s26+$0xF500];
	_ =	sdelay $0x2  }
0x148: {  	v3 =	vadd.f32 v54, v3;
	v17 =	vadd.f32 v56, v55  }
0x149: {  	v18 =	vadd.f32 v58, v57;
	v19 =	vadd.f32 v60, v59  }
0x14a: {  	v20 =	vadd.f32 v62, v61;
	v21 =	vadd.f32 v16, v63;
	v3 =	vpack.i.f32.bf16 v17, v3  }
0x14b: {  	[tilespmem:s26+$0x12400] =	vst v3;
	v3 =	vpack.i.f32.bf16 v19, v18  }
0x14c: {  	s29 =	sor.u32 s25, s24;
	[tilespmem:s26+$0x12480] =	vst v3;
	v3 =	vpack.i.f32.bf16 v21, v20  }
0x14d: {  	s30 =	sor.u32 $0x380, s29;
	[tilespmem:s26+$0x12500] =	vst v3  }
0x14e: {  	v3 =	vld [tilespmem:s30+$0xA200]  }
0x14f: {  	s31 =	sor.u32 $0x1380, s29;
	v22 =	vld [tilespmem:s30+$0xE200]  }
0x150: {  	v23 =	vld [tilespmem:s31+$0xA200]  }
0x151: {  	v24 =	vld [tilespmem:s31+$0xE200];
	_ =	sdelay $0x4  }
0x152: {  	v3 =	vadd.f32 v22, v3;
	v25 =	vadd.f32 v24, v23;
	_ =	sdelay $0x1  }
0x153: {  	v3 =	vpack.i.f32.bf16 v25, v3  }
0x154: {  	[tilespmem:s30+$0x12200] =	vst v3  }
0x155: {  	v3 =	vld [tilespmem:s26+$0xC200]  }
0x156: {  	v26 =	vld [tilespmem:s26+$0x10200]  }
0x157: {  	v27 =	vld [tilespmem:s26+$0xD200]  }
0x158: {  	v28 =	vld [tilespmem:s26+$0x11200]  }
0x159: {  	v29 =	vld [tilespmem:s26+$0xC280]  }
0x15a: {  	v30 =	vld [tilespmem:s26+$0x10280]  }
0x15b: {  	v31 =	vld [tilespmem:s26+$0xD280]  }
0x15c: {  	v32 =	vld [tilespmem:s26+$0x11280]  }
0x15d: {  	v33 =	vld [tilespmem:s26+$0xC300]  }
0x15e: {  	v34 =	vld [tilespmem:s26+$0x10300]  }
0x15f: {  	v35 =	vld [tilespmem:s26+$0xD300]  }
0x160: {  	v36 =	vld [tilespmem:s26+$0x11300]  }
0x161: {  	v45 =	vld [tilespmem:s26+$0xC400]  }
0x162: {  	v46 =	vld [tilespmem:s26+$0x10400]  }
0x163: {  	v47 =	vld [tilespmem:s26+$0xD400]  }
0x164: {  	v48 =	vld [tilespmem:s26+$0x11400];
	v3 =	vadd.f32 v26, v3;
	v37 =	vadd.f32 v28, v27  }
0x165: {  	v49 =	vld [tilespmem:s26+$0xC480];
	v38 =	vadd.f32 v30, v29;
	v39 =	vadd.f32 v32, v31  }
0x166: {  	v50 =	vld [tilespmem:s26+$0x10480];
	v40 =	vadd.f32 v34, v33;
	v41 =	vadd.f32 v36, v35;
	v3 =	vpack.i.f32.bf16 v37, v3  }
0x167: {  	v51 =	vld [tilespmem:s26+$0xD480];
	[tilespmem:s26+$0x13200] =	vst v3;
	v3 =	vpack.i.f32.bf16 v39, v38  }
0x168: {  	v52 =	vld [tilespmem:s26+$0x11480];
	[tilespmem:s26+$0x13280] =	vst v3;
	v3 =	vpack.i.f32.bf16 v41, v40  }
0x169: {  	s31 =	sor.u32 $0x2180, s28;
	v15 =	vld [tilespmem:s26+$0xC500];
	[tilespmem:s26+$0x13300] =	vst v3  }
0x16a: {  	v3 =	vld [tilespmem:s31+$0xA200]  }
0x16b: {  	s28 =	sor.u32 $0x3180, s28;
	v42 =	vld [tilespmem:s31+$0xE200]  }
0x16c: {  	v43 =	vld [tilespmem:s28+$0xA200]  }
0x16d: {  	v44 =	vld [tilespmem:s28+$0xE200]  }
0x16e: {  	v16 =	vld [tilespmem:s26+$0x10500]  }
0x16f: {  	v17 =	vld [tilespmem:s26+$0xD500]  }
0x170: {  	v18 =	vld [tilespmem:s26+$0x11500];
	_ =	sdelay $0x1  }
0x171: {  	v3 =	vadd.f32 v42, v3;
	v53 =	vadd.f32 v44, v43  }
0x172: {  	v54 =	vadd.f32 v46, v45;
	v55 =	vadd.f32 v48, v47  }
0x173: {  	v56 =	vadd.f32 v50, v49;
	v57 =	vadd.f32 v52, v51;
	v3 =	vpack.i.f32.bf16 v53, v3  }
0x174: {  	v58 =	vadd.f32 v16, v15;
	v59 =	vadd.f32 v18, v17;
	[tilespmem:s26+$0x13380] =	vst v3;
	v3 =	vpack.i.f32.bf16 v55, v54  }
0x175: {  	[tilespmem:s26+$0x13400] =	vst v3;
	v3 =	vpack.i.f32.bf16 v57, v56  }
0x176: {  	[tilespmem:s26+$0x13480] =	vst v3;
	v3 =	vpack.i.f32.bf16 v59, v58  }
0x177: {  	s30 =	sor.u32 $0x2380, s29;
	[tilespmem:s26+$0x13500] =	vst v3  }
0x178: {  	v3 =	vld [tilespmem:s30+$0xA200]  }
0x179: {  	s31 =	sor.u32 $0x3380, s29;
	v60 =	vld [tilespmem:s30+$0xE200]  }
0x17a: {  	v61 =	vld [tilespmem:s31+$0xA200]  }
0x17b: {  	v62 =	vld [tilespmem:s31+$0xE200];
	_ =	sdelay $0x2  }
0x17c: {  	p0 =	sne.s32 s25, $0x1F0  }
.Ltmp3:
0x17d: {  	_ = 	snop;
	(pc) =	sbr.rel @p0 .LBB2_5-.Ltmp3, $3  }
0x17e: {  	v3 =	vadd.f32 v60, v3;
	v63 =	vadd.f32 v62, v61;
	_ =	sdelay $0x1  }
0x17f: {  	v3 =	vpack.i.f32.bf16 v63, v3  }
0x180: {  	s24 =	sadd.s32 $0x80, s24;
	s25 =	sadd.s32 $0x10, s25;
	[tilespmem:s26+$0x13580] =	vst v3  }
.Ltmp4:
0x181: {  	s24 =	sadd.s32 s23, s6;
	(pc) =	sbr.rel @p1 .LBB2_8-.Ltmp4, $4  }
0x182: {  	s25 =	rddreg [dreg:$0x3];
	s24 =	sshll.u32 s24, $0x6  }
0x183: {  	s24 =	sadd.s32 s25, s24  }
0x184: {  	s24 =	sadd.s32 $0x400, s24  }
0x185: {  	[hbm4b:s24+s5] =	stream.linear.scatter [tilespmem:s21], [sflag:$0x6], $0x2000, $0x38;
	[tilespmem:$0x14200] =	vst v63  }
0x186: {  	v3 =	vld [tilespmem:s23+$0x30];
	_ =	sdelay $0x4  }
0x187: {  	v4 =	vshll.u32 v3, $0x3  }
0x188: {  	v3 =	vand.u32 $0x7, v3;
	v4 =	vand.u32 $0xFFFFFFC0, v4  }
0x189: {  	v3 =	vor.u32 v3, v4  }
0x18a: {  	v4 =	vperm.xlane v3, v0;
	_ =	sdelay $0x1  }
0x18b: {  	v4 =	vadd.s32 v1, v4;
	_ =	sdelay $0x3  }
0x18c: {  	s24 =	simm.s32 $0xA200  }
0x18d: {  	[tilespmem:s24], [sflag:$0x4] =	stream.indirect_vreg.gather [hbm4b:s2+s5], $0x80, v4, vm0, $0xb8;
	[tilespmem:$0x14200] =	vst v63  }
0x18e: {  	s28 =	simm.s32 $0xAA00;
	v3 =	vperm.xlane v3, v2  }
0x18f: {  	[tilespmem:s28], [sflag:$0x4] =	stream.indirect_vreg.gather [hbm4b:s9+s5], $0x80, v4, vm0, $0xb8;
	[tilespmem:$0x14200] =	vst v63  }
0x190: {  	s29 =	simm.s32 $0xB200;
	v3 =	vadd.s32 v1, v3  }
0x191: {  	[tilespmem:s29], [sflag:$0x4] =	stream.indirect_vreg.gather [hbm4b:s10+s5], $0x80, v4, vm0, $0xb8;
	[tilespmem:$0x14200] =	vst v63  }
0x192: {  	s30 =	simm.s32 $0xBA00  }
0x193: {  	[tilespmem:s30], [sflag:$0x4] =	stream.indirect_vreg.gather [hbm4b:s11+s5], $0x80, v4, vm0, $0xb8;
	[tilespmem:$0x14200] =	vst v63  }
0x194: {  	s31 =	simm.s32 $0xC200  }
0x195: {  	[tilespmem:s31], [sflag:$0x4] =	stream.indirect_vreg.gather [hbm4b:s2+s5], $0x80, v3, vm0, $0xb8;
	[tilespmem:$0x14200] =	vst v63  }
0x196: {  	s25 =	simm.s32 $0xCA00  }
0x197: {  	[tilespmem:s25], [sflag:$0x4] =	stream.indirect_vreg.gather [hbm4b:s9+s5], $0x80, v3, vm0, $0xb8;
	[tilespmem:$0x14200] =	vst v63  }
0x198: {  	s26 =	simm.s32 $0xD200  }
0x199: {  	[tilespmem:s26], [sflag:$0x4] =	stream.indirect_vreg.gather [hbm4b:s10+s5], $0x80, v3, vm0, $0xb8;
	[tilespmem:$0x14200] =	vst v63  }
0x19a: {  	s28 =	simm.s32 $0xDA00  }
0x19b: {  	[tilespmem:s28], [sflag:$0x4] =	stream.indirect_vreg.gather [hbm4b:s11+s5], $0x80, v3, vm0, $0xb8;
	[tilespmem:$0x14200] =	vst v63  }
0x19c: {  	v3 =	vld [tilespmem:s23+$0x130];
	_ =	sdelay $0x4  }
0x19d: {  	v63 =	vshll.u32 v3, $0x3  }
0x19e: {  	v3 =	vand.u32 $0x7, v3;
	v4 =	vand.u32 $0xFFFFFFC0, v63  }
0x19f: {  	v3 =	vor.u32 v3, v4  }
0x1a0: {  	v4 =	vperm.xlane v3, v0;
	_ =	sdelay $0x1  }
0x1a1: {  	v4 =	vadd.s32 v1, v4;
	_ =	sdelay $0x3  }
0x1a2: {  	s29 =	simm.s32 $0xE200  }
0x1a3: {  	[tilespmem:s29], [sflag:$0x5] =	stream.indirect_vreg.gather [hbm4b:s3+s5], $0x80, v4, vm0, $0xb8;
	[tilespmem:$0x14200] =	vst v63  }
0x1a4: {  	s30 =	simm.s32 $0xEA00;
	v3 =	vperm.xlane v3, v2  }
0x1a5: {  	[tilespmem:s30], [sflag:$0x5] =	stream.indirect_vreg.gather [hbm4b:s12+s5], $0x80, v4, vm0, $0xb8;
	[tilespmem:$0x14200] =	vst v63  }
0x1a6: {  	s31 =	simm.s32 $0xF200;
	v3 =	vadd.s32 v1, v3  }
0x1a7: {  	[tilespmem:s31], [sflag:$0x5] =	stream.indirect_vreg.gather [hbm4b:s13+s5], $0x80, v4, vm0, $0xb8;
	[tilespmem:$0x14200] =	vst v63  }
0x1a8: {  	_ = 	snop  }
0x1a9: {  	[tilespmem:s0], [sflag:$0x5] =	stream.indirect_vreg.gather [hbm4b:s14+s5], $0x80, v4, vm0, $0xb8;
	[tilespmem:$0x14200] =	vst v63  }
0x1aa: {  	_ = 	snop  }
0x1ab: {  	[tilespmem:s1], [sflag:$0x5] =	stream.indirect_vreg.gather [hbm4b:s3+s5], $0x80, v3, vm0, $0xb8;
	[tilespmem:$0x14200] =	vst v63  }
0x1ac: {  	_ = 	snop  }
0x1ad: {  	[tilespmem:s18], [sflag:$0x5] =	stream.indirect_vreg.gather [hbm4b:s12+s5], $0x80, v3, vm0, $0xb8;
	[tilespmem:$0x14200] =	vst v63  }
.Ltmp5:
0x1ae: {  	_ = 	snop;
	(pc) =	sbr.rel .LBB2_2-.Ltmp5, $4  }
0x1af: {  	_ = 	snop  }
0x1b0: {  	[tilespmem:s19], [sflag:$0x5] =	stream.indirect_vreg.gather [hbm4b:s13+s5], $0x80, v3, vm0, $0xb8;
	[tilespmem:$0x14200] =	vst v63  }
0x1b1: {  	s22 =	sadd.s32 $0x1, s22  }
0x1b2: {  	[tilespmem:s7], [sflag:$0x5] =	stream.indirect_vreg.gather [hbm4b:s14+s5], $0x80, v3, vm0, $0xb8;
	[tilespmem:$0x14200] =	vst v63  }
.LBB2_9:
0x1b3: {  	_ =	sfence.sel $0x180000  }
0x1b4: {  	[bflag:$0x0] =	sbarrier.arrive $0xFFFF  }
0x1b5: {  	_ =	strace $0x90000047  }
0x1b6: {  	s0 =	stileid.u32;
	[bflag:$0x2] =	sbarrier.arrive $0xFFFF  }
0x1b7: {  	p0 =	sne.s32 s0, $0x0;
	s0 =	rddreg [dreg:$0x4]  }
0x1b8: {  	s0 =	sadd.s32 @!p0 $0x100000, s0  }
0x1b9: {  	[sflag:s0] =	ssyncadd.tile.s32 @!p0 $0x1;
	_ =	shalt  }
.Lfunc_end2:
_tile_overlayer_lowered:
.L_overlay_start_2:
0x1ba: {  	(tag) =	ssettag $0x2  }
0x1bb: {  	s0 =	rddreg [dreg:$0x0];
	s2 =	stileid.u32  }
0x1bc: {  	s1 =	rddreg [dreg:$0x1];
	p0 =	sne.s32 s2, $0x0  }
0x1bd: {  	s3 =	rddreg [dreg:$0x2];
	[bflag:$0x3] =	sbarrier.arrive $0xFFFF;
	s2 =	simm.s32 @!p0 $0x1C07  }
0x1be: {  	[timem:s3], [sflag:s2] =	dma.local @!p0 [hbm:s0], s1  }
0x1bf: {  	s0 =	simm.s32 @!p0 $0x7  }
0x1c0: {  	_ =	swait.ge @!p0 [sflag:s0], s1  }
0x1c1: {  	s1 =	ssub.s32 @!p0 $0x0, s1;
	[sflag:s0] =	ssyncset.done @!p0 $0x0  }
0x1c2: {  	[sflag:s0] =	ssyncadd.s32 @!p0 s1  }
0x1c3: {  	[bflag:$0x3] =	sbarrier.arrive $0xFFFF  }
0x1c4: {  	_ =	shalt  }

</sc_bundles>
